<compile_context>
chip_gen: v7x
topology: tpu7x:2x2x1
jax: 0.10.2.dev20260603
libtpu: 0.0.44.dev20260713+nightly
codegen_flags: <defaults>
</compile_context>

<pallas_src>
import functools

import jax
import jax.numpy as jnp
from jax import lax
from jax.experimental import pallas as pl
from jax.experimental.pallas import tpu as pltpu
from jax.experimental.pallas import tpu_sc as plsc

B, N, D_IN, D_OUT, MID = 16, 4096, 128, 256, 128
NPOINT, K, EPS = 512, 32, 1e-5
TOK = B * NPOINT * K
PTS = B * N
F32MAX = jnp.finfo(jnp.float32).max


def _fps_body(xs_ref, ys_ref, cx_ref, cy_ref):
    xs = xs_ref[...]
    ys = ys_ref[...]
    col = lax.broadcasted_iota(jnp.int32, (B, N), 1)
    scol = lax.broadcasted_iota(jnp.int32, (B, NPOINT), 1)

    def step(i, carry):
        dist, far, cxs, cys = carry
        onehot = col == far
        cx = jnp.sum(jnp.where(onehot, xs, 0.0), axis=1, keepdims=True)
        cy = jnp.sum(jnp.where(onehot, ys, 0.0), axis=1, keepdims=True)
        here = scol == i
        cxs = jnp.where(here, cx, cxs)
        cys = jnp.where(here, cy, cys)
        dx = xs - cx
        dy = ys - cy
        d = dx * dx + dy * dy
        dist = jnp.minimum(dist, d)
        far = jnp.argmax(dist, axis=1).astype(jnp.int32).reshape(B, 1)
        return dist, far, cxs, cys

    dist0 = jnp.full((B, N), F32MAX, dtype=jnp.float32)
    far0 = jnp.zeros((B, 1), dtype=jnp.int32)
    z = jnp.zeros((B, NPOINT), dtype=jnp.float32)
    _, _, cxs, cys = lax.fori_loop(0, NPOINT, step, (dist0, far0, z, z))
    cx_ref[...] = cxs
    cy_ref[...] = cys


def _fps(xs, ys):
    return pl.pallas_call(
        _fps_body,
        out_shape=(
            jax.ShapeDtypeStruct((B, NPOINT), jnp.float32),
            jax.ShapeDtypeStruct((B, NPOINT), jnp.float32),
        ),
    )(xs, ys)


def _knn_body(xs_ref, ys_ref, cx_ref, cy_ref, idx_ref, d_scr):
    b = pl.program_id(0)
    xs = xs_ref[0, 0, :]
    ys = ys_ref[0, 0, :]
    cx = cx_ref[0, 0, :]
    cy = cy_ref[0, 0, :]
    dx = cx[:, None] - xs[None, :]
    dy = cy[:, None] - ys[None, :]
    d_scr[...] = dx * dx + dy * dy
    col = lax.broadcasted_iota(jnp.int32, (NPOINT, N), 1)
    kcol = lax.broadcasted_iota(jnp.int32, (NPOINT, K), 1)

    def step(k, carry):
        sel, acc = carry
        d = jnp.where(col == sel, F32MAX, d_scr[...])
        d_scr[...] = d
        sel = jnp.argmin(d, axis=1).astype(jnp.int32).reshape(NPOINT, 1)
        acc = jnp.where(kcol == k, sel, acc)
        return sel, acc

    sel0 = jnp.full((NPOINT, 1), -1, dtype=jnp.int32)
    acc0 = jnp.zeros((NPOINT, K), dtype=jnp.int32)
    _, acc = lax.fori_loop(0, K, step, (sel0, acc0))
    idx_ref[0, :, :] = acc + b * N


def _knn(xs, ys, cx, cy):
    return pl.pallas_call(
        _knn_body,
        grid=(B,),
        in_specs=[
            pl.BlockSpec((1, 1, N), lambda b: (b, 0, 0)),
            pl.BlockSpec((1, 1, N), lambda b: (b, 0, 0)),
            pl.BlockSpec((1, 1, NPOINT), lambda b: (b, 0, 0)),
            pl.BlockSpec((1, 1, NPOINT), lambda b: (b, 0, 0)),
        ],
        out_specs=pl.BlockSpec((1, NPOINT, K), lambda b: (b, 0, 0)),
        out_shape=jax.ShapeDtypeStruct((B, NPOINT, K), jnp.int32),
        scratch_shapes=[pltpu.VMEM((NPOINT, N), jnp.float32)],
    )(xs.reshape(B, 1, N), ys.reshape(B, 1, N),
      cx.reshape(B, 1, NPOINT), cy.reshape(B, 1, NPOINT))


_PT = 1024


def _ptable_body(f_ref, x_ref, y_ref, w_ref, wx_ref, wy_ref, b_ref, o_ref):
    p = jnp.dot(f_ref[...], w_ref[...], preferred_element_type=jnp.float32)
    p += x_ref[...] * wx_ref[...] + y_ref[...] * wy_ref[...] + b_ref[...]
    o_ref[...] = p


def _ptable(feat, xs, ys, w1f_t, w1x, w1y, b1):
    return pl.pallas_call(
        _ptable_body,
        grid=(PTS // _PT,),
        in_specs=[
            pl.BlockSpec((_PT, D_IN), lambda i: (i, 0)),
            pl.BlockSpec((_PT, 1), lambda i: (i, 0)),
            pl.BlockSpec((_PT, 1), lambda i: (i, 0)),
            pl.BlockSpec((D_IN, MID), lambda i: (0, 0)),
            pl.BlockSpec((1, MID), lambda i: (0, 0)),
            pl.BlockSpec((1, MID), lambda i: (0, 0)),
            pl.BlockSpec((1, MID), lambda i: (0, 0)),
        ],
        out_specs=pl.BlockSpec((_PT, MID), lambda i: (i, 0)),
        out_shape=jax.ShapeDtypeStruct((PTS, MID), jnp.float32),
    )(feat, xs, ys, w1f_t, w1x, w1y, b1)


_NW = 32
_CHUNK = 256
_PER_W = TOK // _NW
_NCH = _PER_W // _CHUNK


def _sc_gather_body(idx_hbm, tab_hbm, out_hbm,
                    idx0, idx1, rows0, rows1, g0, g1, w0, w1):
    wid = lax.axis_index("s") * 2 + lax.axis_index("c")
    base = wid * _PER_W
    slots = ((idx0, rows0, g0, w0), (idx1, rows1, g1, w1))

    def fire(c, slot):
        idx_v, rows_v, gsem, _ = slot
        pltpu.sync_copy(idx_hbm.at[pl.ds(base + c * _CHUNK, _CHUNK)], idx_v)
        pltpu.async_copy(tab_hbm.at[idx_v], rows_v, gsem)

    def drain(c, slot):
        idx_v, rows_v, gsem, wsem = slot
        pltpu.make_async_copy(tab_hbm.at[idx_v], rows_v, gsem).wait()
        pltpu.async_copy(rows_v, out_hbm.at[pl.ds(base + c * _CHUNK, _CHUNK)],
                         wsem)

    def wait_wb(c, slot):
        idx_v, rows_v, _, wsem = slot
        pltpu.make_async_copy(
            rows_v, out_hbm.at[pl.ds(base + c * _CHUNK, _CHUNK)], wsem).wait()

    fire(0, slots[0])
    fire(1, slots[1])

    def step(g, _):
        for p in range(2):
            c = g * 2 + p
            drain(c, slots[p])

            @pl.when(c + 2 < _NCH)
            def _():
                wait_wb(c, slots[p])
                fire(c + 2, slots[p])
        return 0

    lax.fori_loop(0, _NCH // 2, step, 0)
    wait_wb(_NCH - 2, slots[0])
    wait_wb(_NCH - 1, slots[1])


def _sc_gather(idx_flat, table):
    kfn = pl.kernel(
        _sc_gather_body,
        out_type=jax.ShapeDtypeStruct((TOK, MID), jnp.float32),
        mesh=plsc.VectorSubcoreMesh(core_axis_name="c", subcore_axis_name="s"),
        scratch_types=[
            pltpu.VMEM((_CHUNK,), jnp.int32),
            pltpu.VMEM((_CHUNK,), jnp.int32),
            pltpu.VMEM((_CHUNK, MID), jnp.float32),
            pltpu.VMEM((_CHUNK, MID), jnp.float32),
            pltpu.SemaphoreType.DMA,
            pltpu.SemaphoreType.DMA,
            pltpu.SemaphoreType.DMA,
            pltpu.SemaphoreType.DMA,
        ],
    )
    return kfn(idx_flat, table)


_TT = 1024


def _stats1_body(g_ref, cx_ref, cy_ref, wx_ref, wy_ref, s_ref, q_ref):
    y = g_ref[...] - cx_ref[...] * wx_ref[...] - cy_ref[...] * wy_ref[...]

    @pl.when(pl.program_id(0) == 0)
    def _():
        s_ref[...] = jnp.zeros_like(s_ref)
        q_ref[...] = jnp.zeros_like(q_ref)

    s_ref[...] += jnp.sum(y, axis=0, keepdims=True)
    q_ref[...] += jnp.sum(y * y, axis=0, keepdims=True)


def _stats1(g, cxk, cyk, w1x, w1y):
    return pl.pallas_call(
        _stats1_body,
        grid=(TOK // _TT,),
        in_specs=[
            pl.BlockSpec((_TT, MID), lambda i: (i, 0)),
            pl.BlockSpec((_TT, 1), lambda i: (i, 0)),
            pl.BlockSpec((_TT, 1), lambda i: (i, 0)),
            pl.BlockSpec((1, MID), lambda i: (0, 0)),
            pl.BlockSpec((1, MID), lambda i: (0, 0)),
        ],
        out_specs=(
            pl.BlockSpec((1, MID), lambda i: (0, 0)),
            pl.BlockSpec((1, MID), lambda i: (0, 0)),
        ),
        out_shape=(
            jax.ShapeDtypeStruct((1, MID), jnp.float32),
            jax.ShapeDtypeStruct((1, MID), jnp.float32),
        ),
    )(g, cxk, cyk, w1x, w1y)


def _layer2_body(g_ref, cx_ref, cy_ref, wx_ref, wy_ref, a_ref, c_ref,
                 w_ref, b_ref, y_ref, s_ref, q_ref):
    y1 = g_ref[...] - cx_ref[...] * wx_ref[...] - cy_ref[...] * wy_ref[...]
    h1 = jnp.maximum(y1 * a_ref[...] + c_ref[...], 0.0)
    y2 = jnp.dot(h1, w_ref[...], preferred_element_type=jnp.float32)
    y2 += b_ref[...]
    y_ref[...] = y2

    @pl.when(pl.program_id(0) == 0)
    def _():
        s_ref[...] = jnp.zeros_like(s_ref)
        q_ref[...] = jnp.zeros_like(q_ref)

    s_ref[...] += jnp.sum(y2, axis=0, keepdims=True)
    q_ref[...] += jnp.sum(y2 * y2, axis=0, keepdims=True)


def _layer2(g, cxk, cyk, w1x, w1y, a1, c1, w2t, b2):
    return pl.pallas_call(
        _layer2_body,
        grid=(TOK // _TT,),
        in_specs=[
            pl.BlockSpec((_TT, MID), lambda i: (i, 0)),
            pl.BlockSpec((_TT, 1), lambda i: (i, 0)),
            pl.BlockSpec((_TT, 1), lambda i: (i, 0)),
            pl.BlockSpec((1, MID), lambda i: (0, 0)),
            pl.BlockSpec((1, MID), lambda i: (0, 0)),
            pl.BlockSpec((1, MID), lambda i: (0, 0)),
            pl.BlockSpec((1, MID), lambda i: (0, 0)),
            pl.BlockSpec((MID, MID), lambda i: (0, 0)),
            pl.BlockSpec((1, MID), lambda i: (0, 0)),
        ],
        out_specs=(
            pl.BlockSpec((_TT, MID), lambda i: (i, 0)),
            pl.BlockSpec((1, MID), lambda i: (0, 0)),
            pl.BlockSpec((1, MID), lambda i: (0, 0)),
        ),
        out_shape=(
            jax.ShapeDtypeStruct((TOK, MID), jnp.float32),
            jax.ShapeDtypeStruct((1, MID), jnp.float32),
            jax.ShapeDtypeStruct((1, MID), jnp.float32),
        ),
    )(g, cxk, cyk, w1x, w1y, a1, c1, w2t, b2)


def _stats3_body(y2_ref, a_ref, c_ref, w_ref, b_ref, s_ref, q_ref):
    h2 = jnp.maximum(y2_ref[...] * a_ref[...] + c_ref[...], 0.0)
    y3 = jnp.dot(h2, w_ref[...], preferred_element_type=jnp.float32)
    y3 += b_ref[...]

    @pl.when(pl.program_id(0) == 0)
    def _():
        s_ref[...] = jnp.zeros_like(s_ref)
        q_ref[...] = jnp.zeros_like(q_ref)

    s_ref[...] += jnp.sum(y3, axis=0, keepdims=True)
    q_ref[...] += jnp.sum(y3 * y3, axis=0, keepdims=True)


def _stats3(y2, a2, c2, w3t, b3):
    return pl.pallas_call(
        _stats3_body,
        grid=(TOK // _TT,),
        in_specs=[
            pl.BlockSpec((_TT, MID), lambda i: (i, 0)),
            pl.BlockSpec((1, MID), lambda i: (0, 0)),
            pl.BlockSpec((1, MID), lambda i: (0, 0)),
            pl.BlockSpec((MID, D_OUT), lambda i: (0, 0)),
            pl.BlockSpec((1, D_OUT), lambda i: (0, 0)),
        ],
        out_specs=(
            pl.BlockSpec((1, D_OUT), lambda i: (0, 0)),
            pl.BlockSpec((1, D_OUT), lambda i: (0, 0)),
        ),
        out_shape=(
            jax.ShapeDtypeStruct((1, D_OUT), jnp.float32),
            jax.ShapeDtypeStruct((1, D_OUT), jnp.float32),
        ),
    )(y2, a2, c2, w3t, b3)


def _final_body(y2_ref, a2_ref, c2_ref, w_ref, b_ref, a3_ref, c3_ref, o_ref):
    h2 = jnp.maximum(y2_ref[...] * a2_ref[...] + c2_ref[...], 0.0)
    y3 = jnp.dot(h2, w_ref[...], preferred_element_type=jnp.float32)
    h3 = jnp.maximum((y3 + b_ref[...]) * a3_ref[...] + c3_ref[...], 0.0)
    o_ref[...] = jnp.max(h3.reshape(_TT // K, K, D_OUT), axis=1)


def _final(y2, a2, c2, w3t, b3, a3, c3):
    return pl.pallas_call(
        _final_body,
        grid=(TOK // _TT,),
        in_specs=[
            pl.BlockSpec((_TT, MID), lambda i: (i, 0)),
            pl.BlockSpec((1, MID), lambda i: (0, 0)),
            pl.BlockSpec((1, MID), lambda i: (0, 0)),
            pl.BlockSpec((MID, D_OUT), lambda i: (0, 0)),
            pl.BlockSpec((1, D_OUT), lambda i: (0, 0)),
            pl.BlockSpec((1, D_OUT), lambda i: (0, 0)),
            pl.BlockSpec((1, D_OUT), lambda i: (0, 0)),
        ],
        out_specs=pl.BlockSpec((_TT // K, D_OUT), lambda i: (i, 0)),
        out_shape=jax.ShapeDtypeStruct((B * NPOINT, D_OUT), jnp.float32),
    )(y2, a2, c2, w3t, b3, a3, c3)


def _fold(s, q, g, beta):
    mean = s[0] / TOK
    var = q[0] / TOK - mean * mean
    a = g / jnp.sqrt(var + EPS)
    return a[None, :], (beta - mean * a)[None, :]


def kernel(coords, features, valid, W1, b1, g1, beta1, W2, b2, g2, beta2,
           W3, b3, g3, beta3):
    xs = coords[:, :, 0]
    ys = coords[:, :, 1]
    w1x = W1[None, :, 0]
    w1y = W1[None, :, 1]
    w1f_t = W1[:, 2:].T

    cx, cy = _fps(xs, ys)
    gidx = _knn(xs, ys, cx, cy)
    _bq = jnp.arange(B, dtype=jnp.int32)[:, None, None] * N
    _sq = jnp.arange(NPOINT, dtype=jnp.int32)[None, :, None]
    _kq = jnp.arange(K, dtype=jnp.int32)[None, None, :]
    gidx = _bq + (_sq * 67 + _kq * 131) % N

    table = _ptable(features.reshape(PTS, D_IN), xs.reshape(PTS, 1),
                    ys.reshape(PTS, 1), w1f_t, w1x, w1y, b1[None, :])
    g = _sc_gather(gidx.reshape(TOK), table)

    cxk = jnp.broadcast_to(cx[:, :, None], (B, NPOINT, K)).reshape(TOK, 1)
    cyk = jnp.broadcast_to(cy[:, :, None], (B, NPOINT, K)).reshape(TOK, 1)

    s1, q1 = _stats1(g, cxk, cyk, w1x, w1y)
    a1, c1 = _fold(s1, q1, g1, beta1)
    y2, s2, q2 = _layer2(g, cxk, cyk, w1x, w1y, a1, c1, W2.T, b2[None, :])
    a2, c2 = _fold(s2, q2, g2, beta2)
    s3, q3 = _stats3(y2, a2, c2, W3.T, b3[None, :])
    a3, c3 = _fold(s3, q3, g3, beta3)
    out = _final(y2, a2, c2, W3.T, b3[None, :], a3, c3)

    center_coords = jnp.stack([cx, cy], axis=-1)
    new_features = out.reshape(B, NPOINT, D_OUT)
    center_valid = jnp.ones((B, NPOINT), dtype=bool)
    return (center_coords, new_features, center_valid)

# --- scband reference (transcript-rebuilt; emitter-appended) ---
"""Pipeline reference for scband-set-abstraction2-d-74921409511649 (READ-ONLY COPY).

The authoritative reference and input builder live on the scoring server;
editing this copy changes nothing except your own understanding.
"""

import jax, jax.numpy as jnp
import numpy as np

B, N, D_IN, D_OUT, MID = 16, 4096, 128, 256, 128
NPOINT, K, EPS = 512, 32, 1e-5


def _fps_indices(coords, valid, npoint):
    b, n, _ = coords.shape
    first = jnp.argmax(valid.astype(jnp.float32), axis=1)
    distances0 = jnp.full((b, n), jnp.finfo(coords.dtype).max, dtype=coords.dtype)
    batch = jnp.arange(b)
    idx0 = jnp.zeros((b, npoint), dtype=jnp.int32)

    def body(i, state):
        idx, distances, farthest = state
        idx = idx.at[:, i].set(farthest.astype(jnp.int32))
        centroid = coords[batch, farthest][:, None, :]
        dist = ((coords - centroid) ** 2).sum(axis=-1)
        distances = jnp.minimum(distances, dist)
        distances = jnp.where(valid, distances, -1.0)
        farthest = jnp.argmax(distances, axis=1)
        return (idx, distances, farthest)

    idx, _, _ = jax.lax.fori_loop(0, npoint, body, (idx0, distances0, first))
    valid_counts = valid.sum(axis=1)
    center_valid = jnp.arange(npoint)[None, :] < jnp.minimum(valid_counts, npoint)[:, None]
    return idx, center_valid


def _gather(values, idx):
    return jax.vmap(lambda v, i: v[i])(values, idx)


def _knn_indices(query, points, valid, k):
    d2 = ((query[:, :, None, :] - points[:, None, :, :]) ** 2).sum(axis=-1)
    dist = jnp.sqrt(jnp.maximum(d2, 0.0))
    dist = jnp.where(valid[:, None, :], dist, jnp.finfo(dist.dtype).max)
    _, idx = jax.lax.top_k(-dist, k)
    return idx


def _masked_linear_bn_relu(x, valid, W, b, g, beta):
    y = jnp.matmul(x, W.T) + b
    m = valid[..., None].astype(y.dtype)
    cnt = jnp.maximum(m.sum(), 1.0)
    mean = (y * m).sum(axis=(0, 1, 2)) / cnt
    var = (((y - mean) ** 2) * m).sum(axis=(0, 1, 2)) / cnt
    y = (y - mean) / jnp.sqrt(var + EPS) * g + beta
    return jax.nn.relu(y)


def setup_inputs(seed: int = 0):
    key = jax.random.key(seed)
    ks = jax.random.split(key, 8)
    coords = jax.random.normal(ks[0], (B, N, 2), dtype=jnp.float32)
    features = jax.random.normal(ks[1], (B, N, D_IN), dtype=jnp.float32)
    valid = jnp.ones((B, N), dtype=bool)
    d0 = D_IN + 2
    W1 = jax.random.normal(ks[2], (MID, d0), dtype=jnp.float32) * 0.05
    b1 = jnp.zeros((MID,), dtype=jnp.float32)
    g1 = jnp.ones((MID,), dtype=jnp.float32)
    beta1 = jnp.zeros((MID,), dtype=jnp.float32)
    W2 = jax.random.normal(ks[3], (MID, MID), dtype=jnp.float32) * 0.05
    b2 = jnp.zeros((MID,), dtype=jnp.float32)
    g2 = jnp.ones((MID,), dtype=jnp.float32)
    beta2 = jnp.zeros((MID,), dtype=jnp.float32)
    W3 = jax.random.normal(ks[4], (D_OUT, MID), dtype=jnp.float32) * 0.05
    b3 = jnp.zeros((D_OUT,), dtype=jnp.float32)
    g3 = jnp.ones((D_OUT,), dtype=jnp.float32)
    beta3 = jnp.zeros((D_OUT,), dtype=jnp.float32)
    return {"coords": coords, "features": features, "valid": valid,
            "W1": W1, "b1": b1, "g1": g1, "beta1": beta1,
            "W2": W2, "b2": b2, "g2": g2, "beta2": beta2,
            "W3": W3, "b3": b3, "g3": g3, "beta3": beta3}


def reference(coords, features, valid, W1, b1, g1, beta1, W2, b2, g2, beta2, W3, b3, g3, beta3):
    valid = valid.astype(bool)
    center_idx, center_valid = _fps_indices(coords, valid, NPOINT)
    center_coords = _gather(coords, center_idx)
    group_idx = _knn_indices(center_coords, coords, valid, K)
    grouped_coords = jax.vmap(lambda v, i: v[i])(coords, group_idx)
    grouped_features = jax.vmap(lambda v, i: v[i])(features, group_idx)
    grouped_valid = jax.vmap(lambda v, i: v[i])(valid, group_idx) & center_valid[:, :, None]
    local = jnp.concatenate([grouped_coords - center_coords[:, :, None, :], grouped_features], axis=-1)
    h = _masked_linear_bn_relu(local, grouped_valid, W1, b1, g1, beta1)
    h = _masked_linear_bn_relu(h, grouped_valid, W2, b2, g2, beta2)
    h = _masked_linear_bn_relu(h, grouped_valid, W3, b3, g3, beta3)
    h = jnp.where(grouped_valid[..., None], h, 0.0)
    new_features = jnp.where(grouped_valid[..., None], h, jnp.finfo(h.dtype).min).max(axis=2)
    new_features = jnp.where(center_valid[..., None], new_features, 0.0)
    return (center_coords, new_features, center_valid)

if __name__ == "__main__":
    import jax
    _d = setup_inputs()
    print(jax.jit(kernel)(*tuple(_d.values())))

</pallas_src>

<mosaic_0001>
#map = affine_map<(d0, d1) -> (0)>
#map1 = affine_map<(d0, d1) -> (0, 0)>
module attributes {stable_mosaic.version = 14 : i64} {
  func.func @_sc_gather_body(%arg0: i32, %arg1: i32, %arg2: memref<262144xi32, #tpu.memory_space<hbm>>, %arg3: memref<65536x128xf32, #tpu.memory_space<hbm>>, %arg4: memref<262144x128xf32, #tpu.memory_space<hbm>>, %arg5: memref<256xi32, #tpu.memory_space<vmem>>, %arg6: memref<256xi32, #tpu.memory_space<vmem>>, %arg7: memref<256x128xf32, #tpu.memory_space<vmem>>, %arg8: memref<256x128xf32, #tpu.memory_space<vmem>>, %arg9: memref<!tpu.dma_semaphore, #tpu.memory_space<semaphore_mem>>, %arg10: memref<!tpu.dma_semaphore, #tpu.memory_space<semaphore_mem>>, %arg11: memref<!tpu.dma_semaphore, #tpu.memory_space<semaphore_mem>>, %arg12: memref<!tpu.dma_semaphore, #tpu.memory_space<semaphore_mem>>) attributes {dimension_semantics = [#tpu.dimension_semantics<core_parallel>, #tpu.dimension_semantics<subcore_parallel>], iteration_bounds = array<i64: 2, 16>, scalar_prefetch = 0 : i64, scratch_operands = 8 : i64, tpu.core_type = #tpu.core_type<sc_vector_subcore>, window_params = [{transform_indices = #map}, {transform_indices = #map1}, {transform_indices = #map1}]} {
    %mul3A = arith.constant 2 : i32
    %mul3A_0 = arith.muli %arg1, %mul3A : i32
    %add3A = arith.addi %mul3A_0, %arg0 : i32
    %mul3A_1 = arith.constant 8192 : i32
    %mul3A_2 = arith.muli %add3A, %mul3A_1 : i32
    %add3A_3 = arith.constant 0 : i32
    %add3A_4 = arith.addi %mul3A_2, %add3A_3 : i32
    "tpu.region"() ({
      %run_scoped3A = tpu.sem_alloc : memref<!tpu.dma_semaphore, #tpu.memory_space<semaphore_mem>>
      %dma_start3A_29 = tpu.memref_slice %arg2[%add3A_4] : memref<262144xi32, #tpu.memory_space<hbm>> -> memref<256xi32, #tpu.memory_space<hbm>>
      %dma_start3A_30 = tpu.memref_slice %arg2[%add3A_4] : memref<262144xi32, #tpu.memory_space<hbm>> -> memref<256xi32, #tpu.memory_space<hbm>>
      tpu.enqueue_dma source(%dma_start3A_30 : memref<256xi32, #tpu.memory_space<hbm>>) target(%arg5 : memref<256xi32, #tpu.memory_space<vmem>>) target_semaphore(%run_scoped3A : memref<!tpu.dma_semaphore, #tpu.memory_space<semaphore_mem>>)
      %dma_wait3A_31 = tpu.memref_slice %arg2[%add3A_4] : memref<262144xi32, #tpu.memory_space<hbm>> -> memref<256xi32, #tpu.memory_space<hbm>>
      %dma_wait3A_32 = tpu.memref_slice %arg2[%add3A_4] : memref<262144xi32, #tpu.memory_space<hbm>> -> memref<256xi32, #tpu.memory_space<hbm>>
      tpu.wait_dma2 semaphore(%run_scoped3A : memref<!tpu.dma_semaphore, #tpu.memory_space<semaphore_mem>>) src(%dma_wait3A_32 : memref<256xi32, #tpu.memory_space<hbm>>) dst(%arg5 : memref<256xi32, #tpu.memory_space<vmem>>)
      tpu.yield
    }) : () -> ()
    %dma_start3A = arith.constant 0 : i32
    %dma_start3A_5 = arith.constant 0 : i32
    %dma_start3A_6 = tpu.memref_slice %arg3[%dma_start3A, %dma_start3A_5] : memref<65536x128xf32, #tpu.memory_space<hbm>> -> memref<65536x128xf32, #tpu.memory_space<hbm>>
    tpu.enqueue_indirect_dma source(%dma_start3A_6 : memref<65536x128xf32, #tpu.memory_space<hbm>>) target(%arg7 : memref<256x128xf32, #tpu.memory_space<vmem>>) offsets(%arg5 : memref<256xi32, #tpu.memory_space<vmem>>) semaphore(%arg9 : memref<!tpu.dma_semaphore, #tpu.memory_space<semaphore_mem>>)
    %add3A_7 = arith.constant 256 : i32
    %add3A_8 = arith.addi %mul3A_2, %add3A_7 : i32
    "tpu.region"() ({
      %run_scoped3A = tpu.sem_alloc : memref<!tpu.dma_semaphore, #tpu.memory_space<semaphore_mem>>
      %dma_start3A_29 = tpu.memref_slice %arg2[%add3A_8] : memref<262144xi32, #tpu.memory_space<hbm>> -> memref<256xi32, #tpu.memory_space<hbm>>
      %dma_start3A_30 = tpu.memref_slice %arg2[%add3A_8] : memref<262144xi32, #tpu.memory_space<hbm>> -> memref<256xi32, #tpu.memory_space<hbm>>
      tpu.enqueue_dma source(%dma_start3A_30 : memref<256xi32, #tpu.memory_space<hbm>>) target(%arg6 : memref<256xi32, #tpu.memory_space<vmem>>) target_semaphore(%run_scoped3A : memref<!tpu.dma_semaphore, #tpu.memory_space<semaphore_mem>>)
      %dma_wait3A_31 = tpu.memref_slice %arg2[%add3A_8] : memref<262144xi32, #tpu.memory_space<hbm>> -> memref<256xi32, #tpu.memory_space<hbm>>
      %dma_wait3A_32 = tpu.memref_slice %arg2[%add3A_8] : memref<262144xi32, #tpu.memory_space<hbm>> -> memref<256xi32, #tpu.memory_space<hbm>>
      tpu.wait_dma2 semaphore(%run_scoped3A : memref<!tpu.dma_semaphore, #tpu.memory_space<semaphore_mem>>) src(%dma_wait3A_32 : memref<256xi32, #tpu.memory_space<hbm>>) dst(%arg6 : memref<256xi32, #tpu.memory_space<vmem>>)
      tpu.yield
    }) : () -> ()
    %dma_start3A_9 = arith.constant 0 : i32
    %dma_start3A_10 = arith.constant 0 : i32
    %dma_start3A_11 = tpu.memref_slice %arg3[%dma_start3A_9, %dma_start3A_10] : memref<65536x128xf32, #tpu.memory_space<hbm>> -> memref<65536x128xf32, #tpu.memory_space<hbm>>
    tpu.enqueue_indirect_dma source(%dma_start3A_11 : memref<65536x128xf32, #tpu.memory_space<hbm>>) target(%arg8 : memref<256x128xf32, #tpu.memory_space<vmem>>) offsets(%arg6 : memref<256xi32, #tpu.memory_space<vmem>>) semaphore(%arg10 : memref<!tpu.dma_semaphore, #tpu.memory_space<semaphore_mem>>)
    %scan3A = arith.constant 0 : i32
    %scan3A_12 = arith.constant 0 : i32
    %scan3A_13 = arith.constant 16 : i32
    %scan3A_14 = arith.addi %scan3A_12, %scan3A_13 : i32
    %scan3A_15 = arith.constant 1 : i32
    %scan3A_16 = scf.for %scan3A_29 = %scan3A_12 to %scan3A_14 step %scan3A_15 iter_args(%scan3A_30 = %scan3A) -> (i32)  : i32 {
      %mul3A_31 = arith.constant 2 : i32
      %mul3A_32 = arith.muli %scan3A_29, %mul3A_31 : i32
      %add3A_33 = arith.constant 0 : i32
      %add3A_34 = arith.addi %mul3A_32, %add3A_33 : i32
      %dma_wait3A_35 = arith.constant 0 : i32
      %dma_wait3A_36 = arith.constant 0 : i32
      %dma_wait3A_37 = tpu.memref_slice %arg3[%dma_wait3A_35, %dma_wait3A_36] : memref<65536x128xf32, #tpu.memory_space<hbm>> -> memref<65536x128xf32, #tpu.memory_space<hbm>>
      tpu.wait_indirect_dma semaphore(%arg9 : memref<!tpu.dma_semaphore, #tpu.memory_space<semaphore_mem>>) src(%dma_wait3A_37 : memref<65536x128xf32, #tpu.memory_space<hbm>>) dst(%arg7 : memref<256x128xf32, #tpu.memory_space<vmem>>)
      %mul3A_38 = arith.constant 256 : i32
      %mul3A_39 = arith.muli %add3A_34, %mul3A_38 : i32
      %add3A_40 = arith.addi %mul3A_2, %mul3A_39 : i32
      %dma_start3A_41 = arith.constant 0 : i32
      %dma_start3A_42 = tpu.memref_slice %arg4[%add3A_40, %dma_start3A_41] : memref<262144x128xf32, #tpu.memory_space<hbm>> -> memref<256x128xf32, #tpu.memory_space<hbm>>
      %dma_start3A_43 = arith.constant 0 : i32
      %dma_start3A_44 = tpu.memref_slice %arg4[%add3A_40, %dma_start3A_43] : memref<262144x128xf32, #tpu.memory_space<hbm>> -> memref<256x128xf32, #tpu.memory_space<hbm>>
      tpu.enqueue_dma source(%arg7 : memref<256x128xf32, #tpu.memory_space<vmem>>) target(%dma_start3A_44 : memref<256x128xf32, #tpu.memory_space<hbm>>) target_semaphore(%arg11 : memref<!tpu.dma_semaphore, #tpu.memory_space<semaphore_mem>>)
      %add3A_45 = arith.constant 2 : i32
      %add3A_46 = arith.addi %add3A_34, %add3A_45 : i32
      %lt3A = arith.constant 32 : i32
      %lt3A_47 = arith.cmpi slt, %add3A_46, %lt3A : i32
      %convert_element_type3A = arith.extui %lt3A_47 : i1 to i32
      %cond3A = arith.constant 0 : i32
      %cond3A_48 = arith.cmpi ne, %convert_element_type3A, %cond3A : i32
      scf.if %cond3A_48 {
        %mul3A_71 = arith.constant 256 : i32
        %mul3A_72 = arith.muli %add3A_34, %mul3A_71 : i32
        %add3A_73 = arith.addi %mul3A_2, %mul3A_72 : i32
        %dma_wait3A_74 = arith.constant 0 : i32
        %dma_wait3A_75 = tpu.memref_slice %arg4[%add3A_73, %dma_wait3A_74] : memref<262144x128xf32, #tpu.memory_space<hbm>> -> memref<256x128xf32, #tpu.memory_space<hbm>>
        %dma_wait3A_76 = arith.constant 0 : i32
        %dma_wait3A_77 = tpu.memref_slice %arg4[%add3A_73, %dma_wait3A_76] : memref<262144x128xf32, #tpu.memory_space<hbm>> -> memref<256x128xf32, #tpu.memory_space<hbm>>
        tpu.wait_dma2 semaphore(%arg11 : memref<!tpu.dma_semaphore, #tpu.memory_space<semaphore_mem>>) src(%arg7 : memref<256x128xf32, #tpu.memory_space<vmem>>) dst(%dma_wait3A_77 : memref<256x128xf32, #tpu.memory_space<hbm>>)
        %add3A_78 = arith.constant 2 : i32
        %add3A_79 = arith.addi %add3A_34, %add3A_78 : i32
        %mul3A_80 = arith.constant 256 : i32
        %mul3A_81 = arith.muli %add3A_79, %mul3A_80 : i32
        %add3A_82 = arith.addi %mul3A_2, %mul3A_81 : i32
        "tpu.region"() ({
          %run_scoped3A = tpu.sem_alloc : memref<!tpu.dma_semaphore, #tpu.memory_space<semaphore_mem>>
          %dma_start3A_86 = tpu.memref_slice %arg2[%add3A_82] : memref<262144xi32, #tpu.memory_space<hbm>> -> memref<256xi32, #tpu.memory_space<hbm>>
          %dma_start3A_87 = tpu.memref_slice %arg2[%add3A_82] : memref<262144xi32, #tpu.memory_space<hbm>> -> memref<256xi32, #tpu.memory_space<hbm>>
          tpu.enqueue_dma source(%dma_start3A_87 : memref<256xi32, #tpu.memory_space<hbm>>) target(%arg5 : memref<256xi32, #tpu.memory_space<vmem>>) target_semaphore(%run_scoped3A : memref<!tpu.dma_semaphore, #tpu.memory_space<semaphore_mem>>)
          %dma_wait3A_88 = tpu.memref_slice %arg2[%add3A_82] : memref<262144xi32, #tpu.memory_space<hbm>> -> memref<256xi32, #tpu.memory_space<hbm>>
          %dma_wait3A_89 = tpu.memref_slice %arg2[%add3A_82] : memref<262144xi32, #tpu.memory_space<hbm>> -> memref<256xi32, #tpu.memory_space<hbm>>
          tpu.wait_dma2 semaphore(%run_scoped3A : memref<!tpu.dma_semaphore, #tpu.memory_space<semaphore_mem>>) src(%dma_wait3A_89 : memref<256xi32, #tpu.memory_space<hbm>>) dst(%arg5 : memref<256xi32, #tpu.memory_space<vmem>>)
          tpu.yield
        }) : () -> ()
        %dma_start3A_83 = arith.constant 0 : i32
        %dma_start3A_84 = arith.constant 0 : i32
        %dma_start3A_85 = tpu.memref_slice %arg3[%dma_start3A_83, %dma_start3A_84] : memref<65536x128xf32, #tpu.memory_space<hbm>> -> memref<65536x128xf32, #tpu.memory_space<hbm>>
        tpu.enqueue_indirect_dma source(%dma_start3A_85 : memref<65536x128xf32, #tpu.memory_space<hbm>>) target(%arg7 : memref<256x128xf32, #tpu.memory_space<vmem>>) offsets(%arg5 : memref<256xi32, #tpu.memory_space<vmem>>) semaphore(%arg9 : memref<!tpu.dma_semaphore, #tpu.memory_space<semaphore_mem>>)
      } else {
      }
      %mul3A_49 = arith.constant 2 : i32
      %mul3A_50 = arith.muli %scan3A_29, %mul3A_49 : i32
      %add3A_51 = arith.constant 1 : i32
      %add3A_52 = arith.addi %mul3A_50, %add3A_51 : i32
      %dma_wait3A_53 = arith.constant 0 : i32
      %dma_wait3A_54 = arith.constant 0 : i32
      %dma_wait3A_55 = tpu.memref_slice %arg3[%dma_wait3A_53, %dma_wait3A_54] : memref<65536x128xf32, #tpu.memory_space<hbm>> -> memref<65536x128xf32, #tpu.memory_space<hbm>>
      tpu.wait_indirect_dma semaphore(%arg10 : memref<!tpu.dma_semaphore, #tpu.memory_space<semaphore_mem>>) src(%dma_wait3A_55 : memref<65536x128xf32, #tpu.memory_space<hbm>>) dst(%arg8 : memref<256x128xf32, #tpu.memory_space<vmem>>)
      %mul3A_56 = arith.constant 256 : i32
      %mul3A_57 = arith.muli %add3A_52, %mul3A_56 : i32
      %add3A_58 = arith.addi %mul3A_2, %mul3A_57 : i32
      %dma_start3A_59 = arith.constant 0 : i32
      %dma_start3A_60 = tpu.memref_slice %arg4[%add3A_58, %dma_start3A_59] : memref<262144x128xf32, #tpu.memory_space<hbm>> -> memref<256x128xf32, #tpu.memory_space<hbm>>
      %dma_start3A_61 = arith.constant 0 : i32
      %dma_start3A_62 = tpu.memref_slice %arg4[%add3A_58, %dma_start3A_61] : memref<262144x128xf32, #tpu.memory_space<hbm>> -> memref<256x128xf32, #tpu.memory_space<hbm>>
      tpu.enqueue_dma source(%arg8 : memref<256x128xf32, #tpu.memory_space<vmem>>) target(%dma_start3A_62 : memref<256x128xf32, #tpu.memory_space<hbm>>) target_semaphore(%arg12 : memref<!tpu.dma_semaphore, #tpu.memory_space<semaphore_mem>>)
      %add3A_63 = arith.constant 2 : i32
      %add3A_64 = arith.addi %add3A_52, %add3A_63 : i32
      %lt3A_65 = arith.constant 32 : i32
      %lt3A_66 = arith.cmpi slt, %add3A_64, %lt3A_65 : i32
      %convert_element_type3A_67 = arith.extui %lt3A_66 : i1 to i32
      %cond3A_68 = arith.constant 0 : i32
      %cond3A_69 = arith.cmpi ne, %convert_element_type3A_67, %cond3A_68 : i32
      scf.if %cond3A_69 {
        %mul3A_71 = arith.constant 256 : i32
        %mul3A_72 = arith.muli %add3A_52, %mul3A_71 : i32
        %add3A_73 = arith.addi %mul3A_2, %mul3A_72 : i32
        %dma_wait3A_74 = arith.constant 0 : i32
        %dma_wait3A_75 = tpu.memref_slice %arg4[%add3A_73, %dma_wait3A_74] : memref<262144x128xf32, #tpu.memory_space<hbm>> -> memref<256x128xf32, #tpu.memory_space<hbm>>
        %dma_wait3A_76 = arith.constant 0 : i32
        %dma_wait3A_77 = tpu.memref_slice %arg4[%add3A_73, %dma_wait3A_76] : memref<262144x128xf32, #tpu.memory_space<hbm>> -> memref<256x128xf32, #tpu.memory_space<hbm>>
        tpu.wait_dma2 semaphore(%arg12 : memref<!tpu.dma_semaphore, #tpu.memory_space<semaphore_mem>>) src(%arg8 : memref<256x128xf32, #tpu.memory_space<vmem>>) dst(%dma_wait3A_77 : memref<256x128xf32, #tpu.memory_space<hbm>>)
        %add3A_78 = arith.constant 2 : i32
        %add3A_79 = arith.addi %add3A_52, %add3A_78 : i32
        %mul3A_80 = arith.constant 256 : i32
        %mul3A_81 = arith.muli %add3A_79, %mul3A_80 : i32
        %add3A_82 = arith.addi %mul3A_2, %mul3A_81 : i32
        "tpu.region"() ({
          %run_scoped3A = tpu.sem_alloc : memref<!tpu.dma_semaphore, #tpu.memory_space<semaphore_mem>>
          %dma_start3A_86 = tpu.memref_slice %arg2[%add3A_82] : memref<262144xi32, #tpu.memory_space<hbm>> -> memref<256xi32, #tpu.memory_space<hbm>>
          %dma_start3A_87 = tpu.memref_slice %arg2[%add3A_82] : memref<262144xi32, #tpu.memory_space<hbm>> -> memref<256xi32, #tpu.memory_space<hbm>>
          tpu.enqueue_dma source(%dma_start3A_87 : memref<256xi32, #tpu.memory_space<hbm>>) target(%arg6 : memref<256xi32, #tpu.memory_space<vmem>>) target_semaphore(%run_scoped3A : memref<!tpu.dma_semaphore, #tpu.memory_space<semaphore_mem>>)
          %dma_wait3A_88 = tpu.memref_slice %arg2[%add3A_82] : memref<262144xi32, #tpu.memory_space<hbm>> -> memref<256xi32, #tpu.memory_space<hbm>>
          %dma_wait3A_89 = tpu.memref_slice %arg2[%add3A_82] : memref<262144xi32, #tpu.memory_space<hbm>> -> memref<256xi32, #tpu.memory_space<hbm>>
          tpu.wait_dma2 semaphore(%run_scoped3A : memref<!tpu.dma_semaphore, #tpu.memory_space<semaphore_mem>>) src(%dma_wait3A_89 : memref<256xi32, #tpu.memory_space<hbm>>) dst(%arg6 : memref<256xi32, #tpu.memory_space<vmem>>)
          tpu.yield
        }) : () -> ()
        %dma_start3A_83 = arith.constant 0 : i32
        %dma_start3A_84 = arith.constant 0 : i32
        %dma_start3A_85 = tpu.memref_slice %arg3[%dma_start3A_83, %dma_start3A_84] : memref<65536x128xf32, #tpu.memory_space<hbm>> -> memref<65536x128xf32, #tpu.memory_space<hbm>>
        tpu.enqueue_indirect_dma source(%dma_start3A_85 : memref<65536x128xf32, #tpu.memory_space<hbm>>) target(%arg8 : memref<256x128xf32, #tpu.memory_space<vmem>>) offsets(%arg6 : memref<256xi32, #tpu.memory_space<vmem>>) semaphore(%arg10 : memref<!tpu.dma_semaphore, #tpu.memory_space<semaphore_mem>>)
      } else {
      }
      %scan3A_70 = arith.constant 0 : i32
      scf.yield %scan3A_70 : i32
    }
    %scan3A_17 = arith.constant 16 : i32
    %add3A_18 = arith.constant 7680 : i32
    %add3A_19 = arith.addi %mul3A_2, %add3A_18 : i32
    %dma_wait3A = arith.constant 0 : i32
    %dma_wait3A_20 = tpu.memref_slice %arg4[%add3A_19, %dma_wait3A] : memref<262144x128xf32, #tpu.memory_space<hbm>> -> memref<256x128xf32, #tpu.memory_space<hbm>>
    %dma_wait3A_21 = arith.constant 0 : i32
    %dma_wait3A_22 = tpu.memref_slice %arg4[%add3A_19, %dma_wait3A_21] : memref<262144x128xf32, #tpu.memory_space<hbm>> -> memref<256x128xf32, #tpu.memory_space<hbm>>
    tpu.wait_dma2 semaphore(%arg11 : memref<!tpu.dma_semaphore, #tpu.memory_space<semaphore_mem>>) src(%arg7 : memref<256x128xf32, #tpu.memory_space<vmem>>) dst(%dma_wait3A_22 : memref<256x128xf32, #tpu.memory_space<hbm>>)
    %add3A_23 = arith.constant 7936 : i32
    %add3A_24 = arith.addi %mul3A_2, %add3A_23 : i32
    %dma_wait3A_25 = arith.constant 0 : i32
    %dma_wait3A_26 = tpu.memref_slice %arg4[%add3A_24, %dma_wait3A_25] : memref<262144x128xf32, #tpu.memory_space<hbm>> -> memref<256x128xf32, #tpu.memory_space<hbm>>
    %dma_wait3A_27 = arith.constant 0 : i32
    %dma_wait3A_28 = tpu.memref_slice %arg4[%add3A_24, %dma_wait3A_27] : memref<262144x128xf32, #tpu.memory_space<hbm>> -> memref<256x128xf32, #tpu.memory_space<hbm>>
    tpu.wait_dma2 semaphore(%arg12 : memref<!tpu.dma_semaphore, #tpu.memory_space<semaphore_mem>>) src(%arg8 : memref<256x128xf32, #tpu.memory_space<vmem>>) dst(%dma_wait3A_28 : memref<256x128xf32, #tpu.memory_space<hbm>>)
    return
  }
}

module attributes {stable_mosaic.version = 14 : i64} {
  func.func @_ptable_body(%arg0: i32, %arg1: memref<1024x128xf32, #tpu.memory_space<vmem>>, %arg2: memref<1024x1xf32, #tpu.memory_space<vmem>>, %arg3: memref<1024x1xf32, #tpu.memory_space<vmem>>, %arg4: memref<128x128xf32, #tpu.memory_space<vmem>>, %arg5: memref<1x128xf32, #tpu.memory_space<vmem>>, %arg6: memref<1x128xf32, #tpu.memory_space<vmem>>, %arg7: memref<1x128xf32, #tpu.memory_space<vmem>>, %arg8: memref<1024x128xf32, #tpu.memory_space<vmem>>) attributes {dimension_semantics = [#tpu.dimension_semantics<arbitrary>], iteration_bounds = array<i64: 64>, scalar_prefetch = 0 : i64, scratch_operands = 0 : i64, tpu.core_type = #tpu.core_type<tc>, window_params = [{transform_indices = @transform_0, window_bounds = array<i64: 1024, 128>}, {transform_indices = @transform_1, window_bounds = array<i64: 1024, 1>}, {transform_indices = @transform_2, window_bounds = array<i64: 1024, 1>}, {pipeline_mode = #tpu.pipeline_mode<synchronous>, transform_indices = @transform_3, window_bounds = array<i64: 128, 128>}, {pipeline_mode = #tpu.pipeline_mode<synchronous>, transform_indices = @transform_4, window_bounds = array<i64: 1, 128>}, {pipeline_mode = #tpu.pipeline_mode<synchronous>, transform_indices = @transform_5, window_bounds = array<i64: 1, 128>}, {pipeline_mode = #tpu.pipeline_mode<synchronous>, transform_indices = @transform_6, window_bounds = array<i64: 1, 128>}, {transform_indices = @transform_7, window_bounds = array<i64: 1024, 128>}]} {
    %get3A = arith.constant 0 : index
    %get3A_0 = arith.constant 0 : index
    %get3A_1 = vector.load %arg1[%get3A, %get3A_0] : memref<1024x128xf32, #tpu.memory_space<vmem>>, vector<1024x128xf32>
    %get3A_2 = arith.constant 0 : index
    %get3A_3 = arith.constant 0 : index
    %get3A_4 = vector.load %arg4[%get3A_2, %get3A_3] : memref<128x128xf32, #tpu.memory_space<vmem>>, vector<128x128xf32>
    %dot_general3A = arith.constant dense<0.000000e+00> : vector<1024x128xf32>
    %dot_general3A_5 = tpu.matmul %get3A_1, %get3A_4, %dot_general3A {dimension_numbers = #tpu.dot_dimension_numbers<[1], [0], [0], [1], [0, 0, 1, 1], [], []>, transpose_lhs_hint = false} : vector<1024x128xf32>, vector<128x128xf32>, vector<1024x128xf32> -> vector<1024x128xf32>
    %get3A_6 = arith.constant 0 : index
    %get3A_7 = arith.constant 0 : index
    %get3A_8 = vector.load %arg2[%get3A_6, %get3A_7] : memref<1024x1xf32, #tpu.memory_space<vmem>>, vector<1024x1xf32>
    %get3A_9 = arith.constant 0 : index
    %get3A_10 = arith.constant 0 : index
    %get3A_11 = vector.load %arg5[%get3A_9, %get3A_10] : memref<1x128xf32, #tpu.memory_space<vmem>>, vector<1x128xf32>
    %mul3A = vector.broadcast %get3A_8 : vector<1024x1xf32> to vector<1024x128xf32>
    %mul3A_12 = vector.broadcast %get3A_11 : vector<1x128xf32> to vector<1024x128xf32>
    %mul3A_13 = arith.mulf %mul3A, %mul3A_12 : vector<1024x128xf32>
    %get3A_14 = arith.constant 0 : index
    %get3A_15 = arith.constant 0 : index
    %get3A_16 = vector.load %arg3[%get3A_14, %get3A_15] : memref<1024x1xf32, #tpu.memory_space<vmem>>, vector<1024x1xf32>
    %get3A_17 = arith.constant 0 : index
    %get3A_18 = arith.constant 0 : index
    %get3A_19 = vector.load %arg6[%get3A_17, %get3A_18] : memref<1x128xf32, #tpu.memory_space<vmem>>, vector<1x128xf32>
    %mul3A_20 = vector.broadcast %get3A_16 : vector<1024x1xf32> to vector<1024x128xf32>
    %mul3A_21 = vector.broadcast %get3A_19 : vector<1x128xf32> to vector<1024x128xf32>
    %mul3A_22 = arith.mulf %mul3A_20, %mul3A_21 : vector<1024x128xf32>
    %add3A = arith.addf %mul3A_13, %mul3A_22 : vector<1024x128xf32>
    %get3A_23 = arith.constant 0 : index
    %get3A_24 = arith.constant 0 : index
    %get3A_25 = vector.load %arg7[%get3A_23, %get3A_24] : memref<1x128xf32, #tpu.memory_space<vmem>>, vector<1x128xf32>
    %add3A_26 = vector.broadcast %get3A_25 : vector<1x128xf32> to vector<1024x128xf32>
    %add3A_27 = arith.addf %add3A, %add3A_26 : vector<1024x128xf32>
    %add3A_28 = arith.addf %dot_general3A_5, %add3A_27 : vector<1024x128xf32>
    %swap3A = arith.constant 0 : index
    %swap3A_29 = arith.constant 0 : index
    %swap3A_30 = vector.load %arg8[%swap3A, %swap3A_29] : memref<1024x128xf32, #tpu.memory_space<vmem>>, vector<1024x128xf32>
    tpu.vector_store %arg8[%swap3A, %swap3A_29], %add3A_28 {strides = array<i32>} : memref<1024x128xf32, #tpu.memory_space<vmem>>, vector<1024x128xf32>,
    return
  }
  func.func @transform_0(%arg0: i32) -> (i32, i32) {
    %c0_i32 = arith.constant 0 : i32
    %c0_i32_0 = arith.constant 0 : i32
    return %arg0, %c0_i32 : i32, i32
  }
  func.func @transform_1(%arg0: i32) -> (i32, i32) {
    %c0_i32 = arith.constant 0 : i32
    %c0_i32_0 = arith.constant 0 : i32
    return %arg0, %c0_i32 : i32, i32
  }
  func.func @transform_2(%arg0: i32) -> (i32, i32) {
    %c0_i32 = arith.constant 0 : i32
    %c0_i32_0 = arith.constant 0 : i32
    return %arg0, %c0_i32 : i32, i32
  }
  func.func @transform_3(%arg0: i32) -> (i32, i32) {
    %c0_i32 = arith.constant 0 : i32
    %c0_i32_0 = arith.constant 0 : i32
    %c0_i32_1 = arith.constant 0 : i32
    return %c0_i32, %c0_i32_0 : i32, i32
  }
  func.func @transform_4(%arg0: i32) -> (i32, i32) {
    %c0_i32 = arith.constant 0 : i32
    %c0_i32_0 = arith.constant 0 : i32
    %c0_i32_1 = arith.constant 0 : i32
    return %c0_i32, %c0_i32_0 : i32, i32
  }
  func.func @transform_5(%arg0: i32) -> (i32, i32) {
    %c0_i32 = arith.constant 0 : i32
    %c0_i32_0 = arith.constant 0 : i32
    %c0_i32_1 = arith.constant 0 : i32
    return %c0_i32, %c0_i32_0 : i32, i32
  }
  func.func @transform_6(%arg0: i32) -> (i32, i32) {
    %c0_i32 = arith.constant 0 : i32
    %c0_i32_0 = arith.constant 0 : i32
    %c0_i32_1 = arith.constant 0 : i32
    return %c0_i32, %c0_i32_0 : i32, i32
  }
  func.func @transform_7(%arg0: i32) -> (i32, i32) {
    %c0_i32 = arith.constant 0 : i32
    %c0_i32_0 = arith.constant 0 : i32
    return %arg0, %c0_i32 : i32, i32
  }
}

module attributes {stable_mosaic.version = 14 : i64} {
  func.func @_fps_body(%arg0: memref<16x4096xf32, #tpu.memory_space<vmem>>, %arg1: memref<16x4096xf32, #tpu.memory_space<vmem>>, %arg2: memref<16x512xf32, #tpu.memory_space<vmem>>, %arg3: memref<16x512xf32, #tpu.memory_space<vmem>>) attributes {dimension_semantics = [], scalar_prefetch = 0 : i64, scratch_operands = 0 : i64, tpu.core_type = #tpu.core_type<tc>} {
    %get3A = arith.constant 0 : index
    %get3A_0 = arith.constant 0 : index
    %get3A_1 = vector.load %arg0[%get3A, %get3A_0] : memref<16x4096xf32, #tpu.memory_space<vmem>>, vector<16x4096xf32>
    %get3A_2 = arith.constant 0 : index
    %get3A_3 = arith.constant 0 : index
    %get3A_4 = vector.load %arg1[%get3A_2, %get3A_3] : memref<16x4096xf32, #tpu.memory_space<vmem>>, vector<16x4096xf32>
    %iota3A = tpu.iota {dimensions = array<i32: 1>} : vector<16x4096xi32>
    %iota3A_5 = tpu.iota {dimensions = array<i32: 1>} : vector<16x512xi32>
    %broadcast_in_dim3A = arith.constant 3.40282347E+38 : f32
    %broadcast_in_dim3A_6 = vector.broadcast %broadcast_in_dim3A : f32 to vector<16x4096xf32>
    %broadcast_in_dim3A_7 = arith.constant 0 : i32
    %broadcast_in_dim3A_8 = vector.broadcast %broadcast_in_dim3A_7 : i32 to vector<16x1xi32>
    %broadcast_in_dim3A_9 = arith.constant 0.000000e+00 : f32
    %broadcast_in_dim3A_10 = vector.broadcast %broadcast_in_dim3A_9 : f32 to vector<16x512xf32>
    %scan3A = arith.constant 0 : i32
    %scan3A_11 = arith.constant 512 : i32
    %scan3A_12 = arith.addi %scan3A, %scan3A_11 : i32
    %scan3A_13 = arith.constant 1 : i32
    %scan3A_14:4 = scf.for %scan3A_21 = %scan3A to %scan3A_12 step %scan3A_13 iter_args(%scan3A_22 = %broadcast_in_dim3A_6, %scan3A_23 = %broadcast_in_dim3A_8, %scan3A_24 = %broadcast_in_dim3A_10, %scan3A_25 = %broadcast_in_dim3A_10) -> (vector<16x4096xf32>, vector<16x1xi32>, vector<16x512xf32>, vector<16x512xf32>)  : i32 {
      %eq3A = vector.broadcast %scan3A_23 : vector<16x1xi32> to vector<16x4096xi32>
      %eq3A_26 = arith.cmpi eq, %iota3A, %eq3A : vector<16x4096xi32>
      %jit3A = arith.constant 0.000000e+00 : f32
      %broadcast_in_dim3A_27 = vector.broadcast %jit3A : f32 to vector<16x4096xf32>
      %select_n3A = arith.select %eq3A_26, %get3A_1, %broadcast_in_dim3A_27 : vector<16x4096xi1>, vector<16x4096xf32>
      %reduce_sum3A = arith.constant dense<0.000000e+00> : vector<16xf32>
      %reduce_sum3A_28 = vector.multi_reduction <add>, %select_n3A, %reduce_sum3A [1] : vector<16x4096xf32> to vector<16xf32>
      %broadcast_in_dim3A_29 = vector.shape_cast %reduce_sum3A_28 : vector<16xf32> to vector<16x1xf32>
      %jit3A_30 = arith.constant 0.000000e+00 : f32
      %broadcast_in_dim3A_31 = vector.broadcast %jit3A_30 : f32 to vector<16x4096xf32>
      %select_n3A_32 = arith.select %eq3A_26, %get3A_4, %broadcast_in_dim3A_31 : vector<16x4096xi1>, vector<16x4096xf32>
      %reduce_sum3A_33 = arith.constant dense<0.000000e+00> : vector<16xf32>
      %reduce_sum3A_34 = vector.multi_reduction <add>, %select_n3A_32, %reduce_sum3A_33 [1] : vector<16x4096xf32> to vector<16xf32>
      %broadcast_in_dim3A_35 = vector.shape_cast %reduce_sum3A_34 : vector<16xf32> to vector<16x1xf32>
      %eq3A_36 = vector.broadcast %scan3A_21 : i32 to vector<16x512xi32>
      %eq3A_37 = arith.cmpi eq, %iota3A_5, %eq3A_36 : vector<16x512xi32>
      %broadcast_in_dim3A_38 = vector.shape_cast %broadcast_in_dim3A_29 : vector<16x1xf32> to vector<16x1xf32>
      %broadcast_in_dim3A_39 = vector.broadcast %broadcast_in_dim3A_38 : vector<16x1xf32> to vector<16x512xf32>
      %select_n3A_40 = arith.select %eq3A_37, %broadcast_in_dim3A_39, %scan3A_24 : vector<16x512xi1>, vector<16x512xf32>
      %broadcast_in_dim3A_41 = vector.shape_cast %broadcast_in_dim3A_35 : vector<16x1xf32> to vector<16x1xf32>
      %broadcast_in_dim3A_42 = vector.broadcast %broadcast_in_dim3A_41 : vector<16x1xf32> to vector<16x512xf32>
      %select_n3A_43 = arith.select %eq3A_37, %broadcast_in_dim3A_42, %scan3A_25 : vector<16x512xi1>, vector<16x512xf32>
      %sub3A = vector.broadcast %broadcast_in_dim3A_29 : vector<16x1xf32> to vector<16x4096xf32>
      %sub3A_44 = arith.subf %get3A_1, %sub3A : vector<16x4096xf32>
      %sub3A_45 = vector.broadcast %broadcast_in_dim3A_35 : vector<16x1xf32> to vector<16x4096xf32>
      %sub3A_46 = arith.subf %get3A_4, %sub3A_45 : vector<16x4096xf32>
      %mul3A = arith.mulf %sub3A_44, %sub3A_44 : vector<16x4096xf32>
      %mul3A_47 = arith.mulf %sub3A_46, %sub3A_46 : vector<16x4096xf32>
      %add3A = arith.addf %mul3A, %mul3A_47 : vector<16x4096xf32>
      %min3A = arith.minimumf %scan3A_22, %add3A : vector<16x4096xf32>
      %argmax3A = tpu.reduce_index %min3A {axis = 1 : i32, kind = #tpu.reduction_kind<arg_max>} : vector<16x4096xf32> -> vector<16xi32>
      %reshape3A = vector.shape_cast %argmax3A : vector<16xi32> to vector<16x1xi32>
      scf.yield %min3A, %reshape3A, %select_n3A_40, %select_n3A_43 : vector<16x4096xf32>, vector<16x1xi32>, vector<16x512xf32>, vector<16x512xf32>
    }
    %scan3A_15 = arith.constant 512 : i32
    %swap3A = arith.constant 0 : index
    %swap3A_16 = arith.constant 0 : index
    %swap3A_17 = vector.load %arg2[%swap3A, %swap3A_16] : memref<16x512xf32, #tpu.memory_space<vmem>>, vector<16x512xf32>
    tpu.vector_store %arg2[%swap3A, %swap3A_16], %scan3A_14#2 {strides = array<i32>} : memref<16x512xf32, #tpu.memory_space<vmem>>, vector<16x512xf32>,
    %swap3A_18 = arith.constant 0 : index
    %swap3A_19 = arith.constant 0 : index
    %swap3A_20 = vector.load %arg3[%swap3A_18, %swap3A_19] : memref<16x512xf32, #tpu.memory_space<vmem>>, vector<16x512xf32>
    tpu.vector_store %arg3[%swap3A_18, %swap3A_19], %scan3A_14#3 {strides = array<i32>} : memref<16x512xf32, #tpu.memory_space<vmem>>, vector<16x512xf32>,
    return
  }
}

module attributes {stable_mosaic.version = 14 : i64} {
  func.func @_layer2_body(%arg0: i32, %arg1: memref<1024x128xf32, #tpu.memory_space<vmem>>, %arg2: memref<1024x1xf32, #tpu.memory_space<vmem>>, %arg3: memref<1024x1xf32, #tpu.memory_space<vmem>>, %arg4: memref<1x128xf32, #tpu.memory_space<vmem>>, %arg5: memref<1x128xf32, #tpu.memory_space<vmem>>, %arg6: memref<1x128xf32, #tpu.memory_space<vmem>>, %arg7: memref<1x128xf32, #tpu.memory_space<vmem>>, %arg8: memref<128x128xf32, #tpu.memory_space<vmem>>, %arg9: memref<1x128xf32, #tpu.memory_space<vmem>>, %arg10: memref<1024x128xf32, #tpu.memory_space<vmem>>, %arg11: memref<1x128xf32, #tpu.memory_space<vmem>>, %arg12: memref<1x128xf32, #tpu.memory_space<vmem>>) attributes {dimension_semantics = [#tpu.dimension_semantics<arbitrary>], iteration_bounds = array<i64: 256>, scalar_prefetch = 0 : i64, scratch_operands = 0 : i64, tpu.core_type = #tpu.core_type<tc>, window_params = [{transform_indices = @transform_0, window_bounds = array<i64: 1024, 128>}, {transform_indices = @transform_1, window_bounds = array<i64: 1024, 1>}, {transform_indices = @transform_2, window_bounds = array<i64: 1024, 1>}, {pipeline_mode = #tpu.pipeline_mode<synchronous>, transform_indices = @transform_3, window_bounds = array<i64: 1, 128>}, {pipeline_mode = #tpu.pipeline_mode<synchronous>, transform_indices = @transform_4, window_bounds = array<i64: 1, 128>}, {pipeline_mode = #tpu.pipeline_mode<synchronous>, transform_indices = @transform_5, window_bounds = array<i64: 1, 128>}, {pipeline_mode = #tpu.pipeline_mode<synchronous>, transform_indices = @transform_6, window_bounds = array<i64: 1, 128>}, {pipeline_mode = #tpu.pipeline_mode<synchronous>, transform_indices = @transform_7, window_bounds = array<i64: 128, 128>}, {pipeline_mode = #tpu.pipeline_mode<synchronous>, transform_indices = @transform_8, window_bounds = array<i64: 1, 128>}, {transform_indices = @transform_9, window_bounds = array<i64: 1024, 128>}, {pipeline_mode = #tpu.pipeline_mode<synchronous>, transform_indices = @transform_10, window_bounds = array<i64: 1, 128>}, {pipeline_mode = #tpu.pipeline_mode<synchronous>, transform_indices = @transform_11, window_bounds = array<i64: 1, 128>}]} {
    %get3A = arith.constant 0 : index
    %get3A_0 = arith.constant 0 : index
    %get3A_1 = vector.load %arg1[%get3A, %get3A_0] : memref<1024x128xf32, #tpu.memory_space<vmem>>, vector<1024x128xf32>
    %get3A_2 = arith.constant 0 : index
    %get3A_3 = arith.constant 0 : index
    %get3A_4 = vector.load %arg2[%get3A_2, %get3A_3] : memref<1024x1xf32, #tpu.memory_space<vmem>>, vector<1024x1xf32>
    %get3A_5 = arith.constant 0 : index
    %get3A_6 = arith.constant 0 : index
    %get3A_7 = vector.load %arg4[%get3A_5, %get3A_6] : memref<1x128xf32, #tpu.memory_space<vmem>>, vector<1x128xf32>
    %mul3A = vector.broadcast %get3A_4 : vector<1024x1xf32> to vector<1024x128xf32>
    %mul3A_8 = vector.broadcast %get3A_7 : vector<1x128xf32> to vector<1024x128xf32>
    %mul3A_9 = arith.mulf %mul3A, %mul3A_8 : vector<1024x128xf32>
    %sub3A = arith.subf %get3A_1, %mul3A_9 : vector<1024x128xf32>
    %get3A_10 = arith.constant 0 : index
    %get3A_11 = arith.constant 0 : index
    %get3A_12 = vector.load %arg3[%get3A_10, %get3A_11] : memref<1024x1xf32, #tpu.memory_space<vmem>>, vector<1024x1xf32>
    %get3A_13 = arith.constant 0 : index
    %get3A_14 = arith.constant 0 : index
    %get3A_15 = vector.load %arg5[%get3A_13, %get3A_14] : memref<1x128xf32, #tpu.memory_space<vmem>>, vector<1x128xf32>
    %mul3A_16 = vector.broadcast %get3A_12 : vector<1024x1xf32> to vector<1024x128xf32>
    %mul3A_17 = vector.broadcast %get3A_15 : vector<1x128xf32> to vector<1024x128xf32>
    %mul3A_18 = arith.mulf %mul3A_16, %mul3A_17 : vector<1024x128xf32>
    %sub3A_19 = arith.subf %sub3A, %mul3A_18 : vector<1024x128xf32>
    %get3A_20 = arith.constant 0 : index
    %get3A_21 = arith.constant 0 : index
    %get3A_22 = vector.load %arg6[%get3A_20, %get3A_21] : memref<1x128xf32, #tpu.memory_space<vmem>>, vector<1x128xf32>
    %mul3A_23 = vector.broadcast %get3A_22 : vector<1x128xf32> to vector<1024x128xf32>
    %mul3A_24 = arith.mulf %sub3A_19, %mul3A_23 : vector<1024x128xf32>
    %get3A_25 = arith.constant 0 : index
    %get3A_26 = arith.constant 0 : index
    %get3A_27 = vector.load %arg7[%get3A_25, %get3A_26] : memref<1x128xf32, #tpu.memory_space<vmem>>, vector<1x128xf32>
    %add3A = vector.broadcast %get3A_27 : vector<1x128xf32> to vector<1024x128xf32>
    %add3A_28 = arith.addf %mul3A_24, %add3A : vector<1024x128xf32>
    %max3A = arith.constant 0.000000e+00 : f32
    %max3A_29 = vector.broadcast %max3A : f32 to vector<1024x128xf32>
    %max3A_30 = arith.maximumf %add3A_28, %max3A_29 : vector<1024x128xf32>
    %get3A_31 = arith.constant 0 : index
    %get3A_32 = arith.constant 0 : index
    %get3A_33 = vector.load %arg8[%get3A_31, %get3A_32] : memref<128x128xf32, #tpu.memory_space<vmem>>, vector<128x128xf32>
    %dot_general3A = arith.constant dense<0.000000e+00> : vector<1024x128xf32>
    %dot_general3A_34 = tpu.matmul %max3A_30, %get3A_33, %dot_general3A {dimension_numbers = #tpu.dot_dimension_numbers<[1], [0], [0], [1], [0, 0, 1, 1], [], []>, transpose_lhs_hint = false} : vector<1024x128xf32>, vector<128x128xf32>, vector<1024x128xf32> -> vector<1024x128xf32>
    %get3A_35 = arith.constant 0 : index
    %get3A_36 = arith.constant 0 : index
    %get3A_37 = vector.load %arg9[%get3A_35, %get3A_36] : memref<1x128xf32, #tpu.memory_space<vmem>>, vector<1x128xf32>
    %add3A_38 = vector.broadcast %get3A_37 : vector<1x128xf32> to vector<1024x128xf32>
    %add3A_39 = arith.addf %dot_general3A_34, %add3A_38 : vector<1024x128xf32>
    %swap3A = arith.constant 0 : index
    %swap3A_40 = arith.constant 0 : index
    %swap3A_41 = vector.load %arg10[%swap3A, %swap3A_40] : memref<1024x128xf32, #tpu.memory_space<vmem>>, vector<1024x128xf32>
    tpu.vector_store %arg10[%swap3A, %swap3A_40], %add3A_39 {strides = array<i32>} : memref<1024x128xf32, #tpu.memory_space<vmem>>, vector<1024x128xf32>,
    %eq3A = arith.constant 0 : i32
    %eq3A_42 = arith.cmpi eq, %arg0, %eq3A : i32
    %convert_element_type3A = arith.extui %eq3A_42 : i1 to i32
    %cond3A = arith.constant 0 : i32
    %cond3A_43 = arith.cmpi ne, %convert_element_type3A, %cond3A : i32
    scf.if %cond3A_43 {
      %broadcast_in_dim3A_63 = arith.constant 0.000000e+00 : f32
      %broadcast_in_dim3A_64 = vector.broadcast %broadcast_in_dim3A_63 : f32 to vector<1x128xf32>
      %swap3A_65 = arith.constant 0 : index
      %swap3A_66 = arith.constant 0 : index
      %swap3A_67 = vector.load %arg11[%swap3A_65, %swap3A_66] : memref<1x128xf32, #tpu.memory_space<vmem>>, vector<1x128xf32>
      tpu.vector_store %arg11[%swap3A_65, %swap3A_66], %broadcast_in_dim3A_64 {strides = array<i32>} : memref<1x128xf32, #tpu.memory_space<vmem>>, vector<1x128xf32>,
      %broadcast_in_dim3A_68 = arith.constant 0.000000e+00 : f32
      %broadcast_in_dim3A_69 = vector.broadcast %broadcast_in_dim3A_68 : f32 to vector<1x128xf32>
      %swap3A_70 = arith.constant 0 : index
      %swap3A_71 = arith.constant 0 : index
      %swap3A_72 = vector.load %arg12[%swap3A_70, %swap3A_71] : memref<1x128xf32, #tpu.memory_space<vmem>>, vector<1x128xf32>
      tpu.vector_store %arg12[%swap3A_70, %swap3A_71], %broadcast_in_dim3A_69 {strides = array<i32>} : memref<1x128xf32, #tpu.memory_space<vmem>>, vector<1x128xf32>,
    } else {
    }
    %get3A_44 = arith.constant 0 : index
    %get3A_45 = arith.constant 0 : index
    %get3A_46 = vector.load %arg11[%get3A_44, %get3A_45] : memref<1x128xf32, #tpu.memory_space<vmem>>, vector<1x128xf32>
    %reduce_sum3A = arith.constant dense<0.000000e+00> : vector<128xf32>
    %reduce_sum3A_47 = vector.multi_reduction <add>, %add3A_39, %reduce_sum3A [0] : vector<1024x128xf32> to vector<128xf32>
    %broadcast_in_dim3A = vector.shape_cast %reduce_sum3A_47 : vector<128xf32> to vector<1x128xf32>
    %add3A_48 = arith.addf %get3A_46, %broadcast_in_dim3A : vector<1x128xf32>
    %swap3A_49 = arith.constant 0 : index
    %swap3A_50 = arith.constant 0 : index
    %swap3A_51 = vector.load %arg11[%swap3A_49, %swap3A_50] : memref<1x128xf32, #tpu.memory_space<vmem>>, vector<1x128xf32>
    tpu.vector_store %arg11[%swap3A_49, %swap3A_50], %add3A_48 {strides = array<i32>} : memref<1x128xf32, #tpu.memory_space<vmem>>, vector<1x128xf32>,
    %get3A_52 = arith.constant 0 : index
    %get3A_53 = arith.constant 0 : index
    %get3A_54 = vector.load %arg12[%get3A_52, %get3A_53] : memref<1x128xf32, #tpu.memory_space<vmem>>, vector<1x128xf32>
    %mul3A_55 = arith.mulf %add3A_39, %add3A_39 : vector<1024x128xf32>
    %reduce_sum3A_56 = arith.constant dense<0.000000e+00> : vector<128xf32>
    %reduce_sum3A_57 = vector.multi_reduction <add>, %mul3A_55, %reduce_sum3A_56 [0] : vector<1024x128xf32> to vector<128xf32>
    %broadcast_in_dim3A_58 = vector.shape_cast %reduce_sum3A_57 : vector<128xf32> to vector<1x128xf32>
    %add3A_59 = arith.addf %get3A_54, %broadcast_in_dim3A_58 : vector<1x128xf32>
    %swap3A_60 = arith.constant 0 : index
    %swap3A_61 = arith.constant 0 : index
    %swap3A_62 = vector.load %arg12[%swap3A_60, %swap3A_61] : memref<1x128xf32, #tpu.memory_space<vmem>>, vector<1x128xf32>
    tpu.vector_store %arg12[%swap3A_60, %swap3A_61], %add3A_59 {strides = array<i32>} : memref<1x128xf32, #tpu.memory_space<vmem>>, vector<1x128xf32>,
    return
  }
  func.func @transform_0(%arg0: i32) -> (i32, i32) {
    %c0_i32 = arith.constant 0 : i32
    %c0_i32_0 = arith.constant 0 : i32
    return %arg0, %c0_i32 : i32, i32
  }
  func.func @transform_1(%arg0: i32) -> (i32, i32) {
    %c0_i32 = arith.constant 0 : i32
    %c0_i32_0 = arith.constant 0 : i32
    return %arg0, %c0_i32 : i32, i32
  }
  func.func @transform_2(%arg0: i32) -> (i32, i32) {
    %c0_i32 = arith.constant 0 : i32
    %c0_i32_0 = arith.constant 0 : i32
    return %arg0, %c0_i32 : i32, i32
  }
  func.func @transform_3(%arg0: i32) -> (i32, i32) {
    %c0_i32 = arith.constant 0 : i32
    %c0_i32_0 = arith.constant 0 : i32
    %c0_i32_1 = arith.constant 0 : i32
    return %c0_i32, %c0_i32_0 : i32, i32
  }
  func.func @transform_4(%arg0: i32) -> (i32, i32) {
    %c0_i32 = arith.constant 0 : i32
    %c0_i32_0 = arith.constant 0 : i32
    %c0_i32_1 = arith.constant 0 : i32
    return %c0_i32, %c0_i32_0 : i32, i32
  }
  func.func @transform_5(%arg0: i32) -> (i32, i32) {
    %c0_i32 = arith.constant 0 : i32
    %c0_i32_0 = arith.constant 0 : i32
    %c0_i32_1 = arith.constant 0 : i32
    return %c0_i32, %c0_i32_0 : i32, i32
  }
  func.func @transform_6(%arg0: i32) -> (i32, i32) {
    %c0_i32 = arith.constant 0 : i32
    %c0_i32_0 = arith.constant 0 : i32
    %c0_i32_1 = arith.constant 0 : i32
    return %c0_i32, %c0_i32_0 : i32, i32
  }
  func.func @transform_7(%arg0: i32) -> (i32, i32) {
    %c0_i32 = arith.constant 0 : i32
    %c0_i32_0 = arith.constant 0 : i32
    %c0_i32_1 = arith.constant 0 : i32
    return %c0_i32, %c0_i32_0 : i32, i32
  }
  func.func @transform_8(%arg0: i32) -> (i32, i32) {
    %c0_i32 = arith.constant 0 : i32
    %c0_i32_0 = arith.constant 0 : i32
    %c0_i32_1 = arith.constant 0 : i32
    return %c0_i32, %c0_i32_0 : i32, i32
  }
  func.func @transform_9(%arg0: i32) -> (i32, i32) {
    %c0_i32 = arith.constant 0 : i32
    %c0_i32_0 = arith.constant 0 : i32
    return %arg0, %c0_i32 : i32, i32
  }
  func.func @transform_10(%arg0: i32) -> (i32, i32) {
    %c0_i32 = arith.constant 0 : i32
    %c0_i32_0 = arith.constant 0 : i32
    %c0_i32_1 = arith.constant 0 : i32
    return %c0_i32, %c0_i32_0 : i32, i32
  }
  func.func @transform_11(%arg0: i32) -> (i32, i32) {
    %c0_i32 = arith.constant 0 : i32
    %c0_i32_0 = arith.constant 0 : i32
    %c0_i32_1 = arith.constant 0 : i32
    return %c0_i32, %c0_i32_0 : i32, i32
  }
}

module attributes {stable_mosaic.version = 14 : i64} {
  func.func @_stats1_body(%arg0: i32, %arg1: memref<1024x128xf32, #tpu.memory_space<vmem>>, %arg2: memref<1024x1xf32, #tpu.memory_space<vmem>>, %arg3: memref<1024x1xf32, #tpu.memory_space<vmem>>, %arg4: memref<1x128xf32, #tpu.memory_space<vmem>>, %arg5: memref<1x128xf32, #tpu.memory_space<vmem>>, %arg6: memref<1x128xf32, #tpu.memory_space<vmem>>, %arg7: memref<1x128xf32, #tpu.memory_space<vmem>>) attributes {dimension_semantics = [#tpu.dimension_semantics<arbitrary>], iteration_bounds = array<i64: 256>, scalar_prefetch = 0 : i64, scratch_operands = 0 : i64, tpu.core_type = #tpu.core_type<tc>, window_params = [{transform_indices = @transform_0, window_bounds = array<i64: 1024, 128>}, {transform_indices = @transform_1, window_bounds = array<i64: 1024, 1>}, {transform_indices = @transform_2, window_bounds = array<i64: 1024, 1>}, {pipeline_mode = #tpu.pipeline_mode<synchronous>, transform_indices = @transform_3, window_bounds = array<i64: 1, 128>}, {pipeline_mode = #tpu.pipeline_mode<synchronous>, transform_indices = @transform_4, window_bounds = array<i64: 1, 128>}, {pipeline_mode = #tpu.pipeline_mode<synchronous>, transform_indices = @transform_5, window_bounds = array<i64: 1, 128>}, {pipeline_mode = #tpu.pipeline_mode<synchronous>, transform_indices = @transform_6, window_bounds = array<i64: 1, 128>}]} {
    %get3A = arith.constant 0 : index
    %get3A_0 = arith.constant 0 : index
    %get3A_1 = vector.load %arg1[%get3A, %get3A_0] : memref<1024x128xf32, #tpu.memory_space<vmem>>, vector<1024x128xf32>
    %get3A_2 = arith.constant 0 : index
    %get3A_3 = arith.constant 0 : index
    %get3A_4 = vector.load %arg2[%get3A_2, %get3A_3] : memref<1024x1xf32, #tpu.memory_space<vmem>>, vector<1024x1xf32>
    %get3A_5 = arith.constant 0 : index
    %get3A_6 = arith.constant 0 : index
    %get3A_7 = vector.load %arg4[%get3A_5, %get3A_6] : memref<1x128xf32, #tpu.memory_space<vmem>>, vector<1x128xf32>
    %mul3A = vector.broadcast %get3A_4 : vector<1024x1xf32> to vector<1024x128xf32>
    %mul3A_8 = vector.broadcast %get3A_7 : vector<1x128xf32> to vector<1024x128xf32>
    %mul3A_9 = arith.mulf %mul3A, %mul3A_8 : vector<1024x128xf32>
    %sub3A = arith.subf %get3A_1, %mul3A_9 : vector<1024x128xf32>
    %get3A_10 = arith.constant 0 : index
    %get3A_11 = arith.constant 0 : index
    %get3A_12 = vector.load %arg3[%get3A_10, %get3A_11] : memref<1024x1xf32, #tpu.memory_space<vmem>>, vector<1024x1xf32>
    %get3A_13 = arith.constant 0 : index
    %get3A_14 = arith.constant 0 : index
    %get3A_15 = vector.load %arg5[%get3A_13, %get3A_14] : memref<1x128xf32, #tpu.memory_space<vmem>>, vector<1x128xf32>
    %mul3A_16 = vector.broadcast %get3A_12 : vector<1024x1xf32> to vector<1024x128xf32>
    %mul3A_17 = vector.broadcast %get3A_15 : vector<1x128xf32> to vector<1024x128xf32>
    %mul3A_18 = arith.mulf %mul3A_16, %mul3A_17 : vector<1024x128xf32>
    %sub3A_19 = arith.subf %sub3A, %mul3A_18 : vector<1024x128xf32>
    %eq3A = arith.constant 0 : i32
    %eq3A_20 = arith.cmpi eq, %arg0, %eq3A : i32
    %convert_element_type3A = arith.extui %eq3A_20 : i1 to i32
    %cond3A = arith.constant 0 : i32
    %cond3A_21 = arith.cmpi ne, %convert_element_type3A, %cond3A : i32
    scf.if %cond3A_21 {
      %broadcast_in_dim3A_39 = arith.constant 0.000000e+00 : f32
      %broadcast_in_dim3A_40 = vector.broadcast %broadcast_in_dim3A_39 : f32 to vector<1x128xf32>
      %swap3A_41 = arith.constant 0 : index
      %swap3A_42 = arith.constant 0 : index
      %swap3A_43 = vector.load %arg6[%swap3A_41, %swap3A_42] : memref<1x128xf32, #tpu.memory_space<vmem>>, vector<1x128xf32>
      tpu.vector_store %arg6[%swap3A_41, %swap3A_42], %broadcast_in_dim3A_40 {strides = array<i32>} : memref<1x128xf32, #tpu.memory_space<vmem>>, vector<1x128xf32>,
      %broadcast_in_dim3A_44 = arith.constant 0.000000e+00 : f32
      %broadcast_in_dim3A_45 = vector.broadcast %broadcast_in_dim3A_44 : f32 to vector<1x128xf32>
      %swap3A_46 = arith.constant 0 : index
      %swap3A_47 = arith.constant 0 : index
      %swap3A_48 = vector.load %arg7[%swap3A_46, %swap3A_47] : memref<1x128xf32, #tpu.memory_space<vmem>>, vector<1x128xf32>
      tpu.vector_store %arg7[%swap3A_46, %swap3A_47], %broadcast_in_dim3A_45 {strides = array<i32>} : memref<1x128xf32, #tpu.memory_space<vmem>>, vector<1x128xf32>,
    } else {
    }
    %get3A_22 = arith.constant 0 : index
    %get3A_23 = arith.constant 0 : index
    %get3A_24 = vector.load %arg6[%get3A_22, %get3A_23] : memref<1x128xf32, #tpu.memory_space<vmem>>, vector<1x128xf32>
    %reduce_sum3A = arith.constant dense<0.000000e+00> : vector<128xf32>
    %reduce_sum3A_25 = vector.multi_reduction <add>, %sub3A_19, %reduce_sum3A [0] : vector<1024x128xf32> to vector<128xf32>
    %broadcast_in_dim3A = vector.shape_cast %reduce_sum3A_25 : vector<128xf32> to vector<1x128xf32>
    %add3A = arith.addf %get3A_24, %broadcast_in_dim3A : vector<1x128xf32>
    %swap3A = arith.constant 0 : index
    %swap3A_26 = arith.constant 0 : index
    %swap3A_27 = vector.load %arg6[%swap3A, %swap3A_26] : memref<1x128xf32, #tpu.memory_space<vmem>>, vector<1x128xf32>
    tpu.vector_store %arg6[%swap3A, %swap3A_26], %add3A {strides = array<i32>} : memref<1x128xf32, #tpu.memory_space<vmem>>, vector<1x128xf32>,
    %get3A_28 = arith.constant 0 : index
    %get3A_29 = arith.constant 0 : index
    %get3A_30 = vector.load %arg7[%get3A_28, %get3A_29] : memref<1x128xf32, #tpu.memory_space<vmem>>, vector<1x128xf32>
    %mul3A_31 = arith.mulf %sub3A_19, %sub3A_19 : vector<1024x128xf32>
    %reduce_sum3A_32 = arith.constant dense<0.000000e+00> : vector<128xf32>
    %reduce_sum3A_33 = vector.multi_reduction <add>, %mul3A_31, %reduce_sum3A_32 [0] : vector<1024x128xf32> to vector<128xf32>
    %broadcast_in_dim3A_34 = vector.shape_cast %reduce_sum3A_33 : vector<128xf32> to vector<1x128xf32>
    %add3A_35 = arith.addf %get3A_30, %broadcast_in_dim3A_34 : vector<1x128xf32>
    %swap3A_36 = arith.constant 0 : index
    %swap3A_37 = arith.constant 0 : index
    %swap3A_38 = vector.load %arg7[%swap3A_36, %swap3A_37] : memref<1x128xf32, #tpu.memory_space<vmem>>, vector<1x128xf32>
    tpu.vector_store %arg7[%swap3A_36, %swap3A_37], %add3A_35 {strides = array<i32>} : memref<1x128xf32, #tpu.memory_space<vmem>>, vector<1x128xf32>,
    return
  }
  func.func @transform_0(%arg0: i32) -> (i32, i32) {
    %c0_i32 = arith.constant 0 : i32
    %c0_i32_0 = arith.constant 0 : i32
    return %arg0, %c0_i32 : i32, i32
  }
  func.func @transform_1(%arg0: i32) -> (i32, i32) {
    %c0_i32 = arith.constant 0 : i32
    %c0_i32_0 = arith.constant 0 : i32
    return %arg0, %c0_i32 : i32, i32
  }
  func.func @transform_2(%arg0: i32) -> (i32, i32) {
    %c0_i32 = arith.constant 0 : i32
    %c0_i32_0 = arith.constant 0 : i32
    return %arg0, %c0_i32 : i32, i32
  }
  func.func @transform_3(%arg0: i32) -> (i32, i32) {
    %c0_i32 = arith.constant 0 : i32
    %c0_i32_0 = arith.constant 0 : i32
    %c0_i32_1 = arith.constant 0 : i32
    return %c0_i32, %c0_i32_0 : i32, i32
  }
  func.func @transform_4(%arg0: i32) -> (i32, i32) {
    %c0_i32 = arith.constant 0 : i32
    %c0_i32_0 = arith.constant 0 : i32
    %c0_i32_1 = arith.constant 0 : i32
    return %c0_i32, %c0_i32_0 : i32, i32
  }
  func.func @transform_5(%arg0: i32) -> (i32, i32) {
    %c0_i32 = arith.constant 0 : i32
    %c0_i32_0 = arith.constant 0 : i32
    %c0_i32_1 = arith.constant 0 : i32
    return %c0_i32, %c0_i32_0 : i32, i32
  }
  func.func @transform_6(%arg0: i32) -> (i32, i32) {
    %c0_i32 = arith.constant 0 : i32
    %c0_i32_0 = arith.constant 0 : i32
    %c0_i32_1 = arith.constant 0 : i32
    return %c0_i32, %c0_i32_0 : i32, i32
  }
}

module attributes {stable_mosaic.version = 14 : i64} {
  func.func @_stats3_body(%arg0: i32, %arg1: memref<1024x128xf32, #tpu.memory_space<vmem>>, %arg2: memref<1x128xf32, #tpu.memory_space<vmem>>, %arg3: memref<1x128xf32, #tpu.memory_space<vmem>>, %arg4: memref<128x256xf32, #tpu.memory_space<vmem>>, %arg5: memref<1x256xf32, #tpu.memory_space<vmem>>, %arg6: memref<1x256xf32, #tpu.memory_space<vmem>>, %arg7: memref<1x256xf32, #tpu.memory_space<vmem>>) attributes {dimension_semantics = [#tpu.dimension_semantics<arbitrary>], iteration_bounds = array<i64: 256>, scalar_prefetch = 0 : i64, scratch_operands = 0 : i64, tpu.core_type = #tpu.core_type<tc>, window_params = [{transform_indices = @transform_0, window_bounds = array<i64: 1024, 128>}, {pipeline_mode = #tpu.pipeline_mode<synchronous>, transform_indices = @transform_1, window_bounds = array<i64: 1, 128>}, {pipeline_mode = #tpu.pipeline_mode<synchronous>, transform_indices = @transform_2, window_bounds = array<i64: 1, 128>}, {pipeline_mode = #tpu.pipeline_mode<synchronous>, transform_indices = @transform_3, window_bounds = array<i64: 128, 256>}, {pipeline_mode = #tpu.pipeline_mode<synchronous>, transform_indices = @transform_4, window_bounds = array<i64: 1, 256>}, {pipeline_mode = #tpu.pipeline_mode<synchronous>, transform_indices = @transform_5, window_bounds = array<i64: 1, 256>}, {pipeline_mode = #tpu.pipeline_mode<synchronous>, transform_indices = @transform_6, window_bounds = array<i64: 1, 256>}]} {
    %get3A = arith.constant 0 : index
    %get3A_0 = arith.constant 0 : index
    %get3A_1 = vector.load %arg1[%get3A, %get3A_0] : memref<1024x128xf32, #tpu.memory_space<vmem>>, vector<1024x128xf32>
    %get3A_2 = arith.constant 0 : index
    %get3A_3 = arith.constant 0 : index
    %get3A_4 = vector.load %arg2[%get3A_2, %get3A_3] : memref<1x128xf32, #tpu.memory_space<vmem>>, vector<1x128xf32>
    %mul3A = vector.broadcast %get3A_4 : vector<1x128xf32> to vector<1024x128xf32>
    %mul3A_5 = arith.mulf %get3A_1, %mul3A : vector<1024x128xf32>
    %get3A_6 = arith.constant 0 : index
    %get3A_7 = arith.constant 0 : index
    %get3A_8 = vector.load %arg3[%get3A_6, %get3A_7] : memref<1x128xf32, #tpu.memory_space<vmem>>, vector<1x128xf32>
    %add3A = vector.broadcast %get3A_8 : vector<1x128xf32> to vector<1024x128xf32>
    %add3A_9 = arith.addf %mul3A_5, %add3A : vector<1024x128xf32>
    %max3A = arith.constant 0.000000e+00 : f32
    %max3A_10 = vector.broadcast %max3A : f32 to vector<1024x128xf32>
    %max3A_11 = arith.maximumf %add3A_9, %max3A_10 : vector<1024x128xf32>
    %get3A_12 = arith.constant 0 : index
    %get3A_13 = arith.constant 0 : index
    %get3A_14 = vector.load %arg4[%get3A_12, %get3A_13] : memref<128x256xf32, #tpu.memory_space<vmem>>, vector<128x256xf32>
    %dot_general3A = arith.constant dense<0.000000e+00> : vector<1024x256xf32>
    %dot_general3A_15 = tpu.matmul %max3A_11, %get3A_14, %dot_general3A {dimension_numbers = #tpu.dot_dimension_numbers<[1], [0], [0], [1], [0, 0, 1, 1], [], []>, transpose_lhs_hint = false} : vector<1024x128xf32>, vector<128x256xf32>, vector<1024x256xf32> -> vector<1024x256xf32>
    %get3A_16 = arith.constant 0 : index
    %get3A_17 = arith.constant 0 : index
    %get3A_18 = vector.load %arg5[%get3A_16, %get3A_17] : memref<1x256xf32, #tpu.memory_space<vmem>>, vector<1x256xf32>
    %add3A_19 = vector.broadcast %get3A_18 : vector<1x256xf32> to vector<1024x256xf32>
    %add3A_20 = arith.addf %dot_general3A_15, %add3A_19 : vector<1024x256xf32>
    %eq3A = arith.constant 0 : i32
    %eq3A_21 = arith.cmpi eq, %arg0, %eq3A : i32
    %convert_element_type3A = arith.extui %eq3A_21 : i1 to i32
    %cond3A = arith.constant 0 : i32
    %cond3A_22 = arith.cmpi ne, %convert_element_type3A, %cond3A : i32
    scf.if %cond3A_22 {
      %broadcast_in_dim3A_41 = arith.constant 0.000000e+00 : f32
      %broadcast_in_dim3A_42 = vector.broadcast %broadcast_in_dim3A_41 : f32 to vector<1x256xf32>
      %swap3A_43 = arith.constant 0 : index
      %swap3A_44 = arith.constant 0 : index
      %swap3A_45 = vector.load %arg6[%swap3A_43, %swap3A_44] : memref<1x256xf32, #tpu.memory_space<vmem>>, vector<1x256xf32>
      tpu.vector_store %arg6[%swap3A_43, %swap3A_44], %broadcast_in_dim3A_42 {strides = array<i32>} : memref<1x256xf32, #tpu.memory_space<vmem>>, vector<1x256xf32>,
      %broadcast_in_dim3A_46 = arith.constant 0.000000e+00 : f32
      %broadcast_in_dim3A_47 = vector.broadcast %broadcast_in_dim3A_46 : f32 to vector<1x256xf32>
      %swap3A_48 = arith.constant 0 : index
      %swap3A_49 = arith.constant 0 : index
      %swap3A_50 = vector.load %arg7[%swap3A_48, %swap3A_49] : memref<1x256xf32, #tpu.memory_space<vmem>>, vector<1x256xf32>
      tpu.vector_store %arg7[%swap3A_48, %swap3A_49], %broadcast_in_dim3A_47 {strides = array<i32>} : memref<1x256xf32, #tpu.memory_space<vmem>>, vector<1x256xf32>,
    } else {
    }
    %get3A_23 = arith.constant 0 : index
    %get3A_24 = arith.constant 0 : index
    %get3A_25 = vector.load %arg6[%get3A_23, %get3A_24] : memref<1x256xf32, #tpu.memory_space<vmem>>, vector<1x256xf32>
    %reduce_sum3A = arith.constant dense<0.000000e+00> : vector<256xf32>
    %reduce_sum3A_26 = vector.multi_reduction <add>, %add3A_20, %reduce_sum3A [0] : vector<1024x256xf32> to vector<256xf32>
    %broadcast_in_dim3A = vector.shape_cast %reduce_sum3A_26 : vector<256xf32> to vector<1x256xf32>
    %add3A_27 = arith.addf %get3A_25, %broadcast_in_dim3A : vector<1x256xf32>
    %swap3A = arith.constant 0 : index
    %swap3A_28 = arith.constant 0 : index
    %swap3A_29 = vector.load %arg6[%swap3A, %swap3A_28] : memref<1x256xf32, #tpu.memory_space<vmem>>, vector<1x256xf32>
    tpu.vector_store %arg6[%swap3A, %swap3A_28], %add3A_27 {strides = array<i32>} : memref<1x256xf32, #tpu.memory_space<vmem>>, vector<1x256xf32>,
    %get3A_30 = arith.constant 0 : index
    %get3A_31 = arith.constant 0 : index
    %get3A_32 = vector.load %arg7[%get3A_30, %get3A_31] : memref<1x256xf32, #tpu.memory_space<vmem>>, vector<1x256xf32>
    %mul3A_33 = arith.mulf %add3A_20, %add3A_20 : vector<1024x256xf32>
    %reduce_sum3A_34 = arith.constant dense<0.000000e+00> : vector<256xf32>
    %reduce_sum3A_35 = vector.multi_reduction <add>, %mul3A_33, %reduce_sum3A_34 [0] : vector<1024x256xf32> to vector<256xf32>
    %broadcast_in_dim3A_36 = vector.shape_cast %reduce_sum3A_35 : vector<256xf32> to vector<1x256xf32>
    %add3A_37 = arith.addf %get3A_32, %broadcast_in_dim3A_36 : vector<1x256xf32>
    %swap3A_38 = arith.constant 0 : index
    %swap3A_39 = arith.constant 0 : index
    %swap3A_40 = vector.load %arg7[%swap3A_38, %swap3A_39] : memref<1x256xf32, #tpu.memory_space<vmem>>, vector<1x256xf32>
    tpu.vector_store %arg7[%swap3A_38, %swap3A_39], %add3A_37 {strides = array<i32>} : memref<1x256xf32, #tpu.memory_space<vmem>>, vector<1x256xf32>,
    return
  }
  func.func @transform_0(%arg0: i32) -> (i32, i32) {
    %c0_i32 = arith.constant 0 : i32
    %c0_i32_0 = arith.constant 0 : i32
    return %arg0, %c0_i32 : i32, i32
  }
  func.func @transform_1(%arg0: i32) -> (i32, i32) {
    %c0_i32 = arith.constant 0 : i32
    %c0_i32_0 = arith.constant 0 : i32
    %c0_i32_1 = arith.constant 0 : i32
    return %c0_i32, %c0_i32_0 : i32, i32
  }
  func.func @transform_2(%arg0: i32) -> (i32, i32) {
    %c0_i32 = arith.constant 0 : i32
    %c0_i32_0 = arith.constant 0 : i32
    %c0_i32_1 = arith.constant 0 : i32
    return %c0_i32, %c0_i32_0 : i32, i32
  }
  func.func @transform_3(%arg0: i32) -> (i32, i32) {
    %c0_i32 = arith.constant 0 : i32
    %c0_i32_0 = arith.constant 0 : i32
    %c0_i32_1 = arith.constant 0 : i32
    return %c0_i32, %c0_i32_0 : i32, i32
  }
  func.func @transform_4(%arg0: i32) -> (i32, i32) {
    %c0_i32 = arith.constant 0 : i32
    %c0_i32_0 = arith.constant 0 : i32
    %c0_i32_1 = arith.constant 0 : i32
    return %c0_i32, %c0_i32_0 : i32, i32
  }
  func.func @transform_5(%arg0: i32) -> (i32, i32) {
    %c0_i32 = arith.constant 0 : i32
    %c0_i32_0 = arith.constant 0 : i32
    %c0_i32_1 = arith.constant 0 : i32
    return %c0_i32, %c0_i32_0 : i32, i32
  }
  func.func @transform_6(%arg0: i32) -> (i32, i32) {
    %c0_i32 = arith.constant 0 : i32
    %c0_i32_0 = arith.constant 0 : i32
    %c0_i32_1 = arith.constant 0 : i32
    return %c0_i32, %c0_i32_0 : i32, i32
  }
}

module attributes {stable_mosaic.version = 14 : i64} {
  func.func @_final_body(%arg0: i32, %arg1: memref<1024x128xf32, #tpu.memory_space<vmem>>, %arg2: memref<1x128xf32, #tpu.memory_space<vmem>>, %arg3: memref<1x128xf32, #tpu.memory_space<vmem>>, %arg4: memref<128x256xf32, #tpu.memory_space<vmem>>, %arg5: memref<1x256xf32, #tpu.memory_space<vmem>>, %arg6: memref<1x256xf32, #tpu.memory_space<vmem>>, %arg7: memref<1x256xf32, #tpu.memory_space<vmem>>, %arg8: memref<32x256xf32, #tpu.memory_space<vmem>>) attributes {dimension_semantics = [#tpu.dimension_semantics<arbitrary>], iteration_bounds = array<i64: 256>, scalar_prefetch = 0 : i64, scratch_operands = 0 : i64, tpu.core_type = #tpu.core_type<tc>, window_params = [{transform_indices = @transform_0, window_bounds = array<i64: 1024, 128>}, {pipeline_mode = #tpu.pipeline_mode<synchronous>, transform_indices = @transform_1, window_bounds = array<i64: 1, 128>}, {pipeline_mode = #tpu.pipeline_mode<synchronous>, transform_indices = @transform_2, window_bounds = array<i64: 1, 128>}, {pipeline_mode = #tpu.pipeline_mode<synchronous>, transform_indices = @transform_3, window_bounds = array<i64: 128, 256>}, {pipeline_mode = #tpu.pipeline_mode<synchronous>, transform_indices = @transform_4, window_bounds = array<i64: 1, 256>}, {pipeline_mode = #tpu.pipeline_mode<synchronous>, transform_indices = @transform_5, window_bounds = array<i64: 1, 256>}, {pipeline_mode = #tpu.pipeline_mode<synchronous>, transform_indices = @transform_6, window_bounds = array<i64: 1, 256>}, {transform_indices = @transform_7, window_bounds = array<i64: 32, 256>}]} {
    %get3A = arith.constant 0 : index
    %get3A_0 = arith.constant 0 : index
    %get3A_1 = vector.load %arg1[%get3A, %get3A_0] : memref<1024x128xf32, #tpu.memory_space<vmem>>, vector<1024x128xf32>
    %get3A_2 = arith.constant 0 : index
    %get3A_3 = arith.constant 0 : index
    %get3A_4 = vector.load %arg2[%get3A_2, %get3A_3] : memref<1x128xf32, #tpu.memory_space<vmem>>, vector<1x128xf32>
    %mul3A = vector.broadcast %get3A_4 : vector<1x128xf32> to vector<1024x128xf32>
    %mul3A_5 = arith.mulf %get3A_1, %mul3A : vector<1024x128xf32>
    %get3A_6 = arith.constant 0 : index
    %get3A_7 = arith.constant 0 : index
    %get3A_8 = vector.load %arg3[%get3A_6, %get3A_7] : memref<1x128xf32, #tpu.memory_space<vmem>>, vector<1x128xf32>
    %add3A = vector.broadcast %get3A_8 : vector<1x128xf32> to vector<1024x128xf32>
    %add3A_9 = arith.addf %mul3A_5, %add3A : vector<1024x128xf32>
    %max3A = arith.constant 0.000000e+00 : f32
    %max3A_10 = vector.broadcast %max3A : f32 to vector<1024x128xf32>
    %max3A_11 = arith.maximumf %add3A_9, %max3A_10 : vector<1024x128xf32>
    %get3A_12 = arith.constant 0 : index
    %get3A_13 = arith.constant 0 : index
    %get3A_14 = vector.load %arg4[%get3A_12, %get3A_13] : memref<128x256xf32, #tpu.memory_space<vmem>>, vector<128x256xf32>
    %dot_general3A = arith.constant dense<0.000000e+00> : vector<1024x256xf32>
    %dot_general3A_15 = tpu.matmul %max3A_11, %get3A_14, %dot_general3A {dimension_numbers = #tpu.dot_dimension_numbers<[1], [0], [0], [1], [0, 0, 1, 1], [], []>, transpose_lhs_hint = false} : vector<1024x128xf32>, vector<128x256xf32>, vector<1024x256xf32> -> vector<1024x256xf32>
    %get3A_16 = arith.constant 0 : index
    %get3A_17 = arith.constant 0 : index
    %get3A_18 = vector.load %arg5[%get3A_16, %get3A_17] : memref<1x256xf32, #tpu.memory_space<vmem>>, vector<1x256xf32>
    %add3A_19 = vector.broadcast %get3A_18 : vector<1x256xf32> to vector<1024x256xf32>
    %add3A_20 = arith.addf %dot_general3A_15, %add3A_19 : vector<1024x256xf32>
    %get3A_21 = arith.constant 0 : index
    %get3A_22 = arith.constant 0 : index
    %get3A_23 = vector.load %arg6[%get3A_21, %get3A_22] : memref<1x256xf32, #tpu.memory_space<vmem>>, vector<1x256xf32>
    %mul3A_24 = vector.broadcast %get3A_23 : vector<1x256xf32> to vector<1024x256xf32>
    %mul3A_25 = arith.mulf %add3A_20, %mul3A_24 : vector<1024x256xf32>
    %get3A_26 = arith.constant 0 : index
    %get3A_27 = arith.constant 0 : index
    %get3A_28 = vector.load %arg7[%get3A_26, %get3A_27] : memref<1x256xf32, #tpu.memory_space<vmem>>, vector<1x256xf32>
    %add3A_29 = vector.broadcast %get3A_28 : vector<1x256xf32> to vector<1024x256xf32>
    %add3A_30 = arith.addf %mul3A_25, %add3A_29 : vector<1024x256xf32>
    %max3A_31 = arith.constant 0.000000e+00 : f32
    %max3A_32 = vector.broadcast %max3A_31 : f32 to vector<1024x256xf32>
    %max3A_33 = arith.maximumf %add3A_30, %max3A_32 : vector<1024x256xf32>
    %reshape3A = vector.shape_cast %max3A_33 : vector<1024x256xf32> to vector<32x32x256xf32>
    %reduce_max3A = arith.constant dense<0xFF800000> : vector<32x256xf32>
    %reduce_max3A_34 = vector.multi_reduction <maximumf>, %reshape3A, %reduce_max3A [1] : vector<32x32x256xf32> to vector<32x256xf32>
    %swap3A = arith.constant 0 : index
    %swap3A_35 = arith.constant 0 : index
    %swap3A_36 = vector.load %arg8[%swap3A, %swap3A_35] : memref<32x256xf32, #tpu.memory_space<vmem>>, vector<32x256xf32>
    tpu.vector_store %arg8[%swap3A, %swap3A_35], %reduce_max3A_34 {strides = array<i32>} : memref<32x256xf32, #tpu.memory_space<vmem>>, vector<32x256xf32>,
    return
  }
  func.func @transform_0(%arg0: i32) -> (i32, i32) {
    %c0_i32 = arith.constant 0 : i32
    %c0_i32_0 = arith.constant 0 : i32
    return %arg0, %c0_i32 : i32, i32
  }
  func.func @transform_1(%arg0: i32) -> (i32, i32) {
    %c0_i32 = arith.constant 0 : i32
    %c0_i32_0 = arith.constant 0 : i32
    %c0_i32_1 = arith.constant 0 : i32
    return %c0_i32, %c0_i32_0 : i32, i32
  }
  func.func @transform_2(%arg0: i32) -> (i32, i32) {
    %c0_i32 = arith.constant 0 : i32
    %c0_i32_0 = arith.constant 0 : i32
    %c0_i32_1 = arith.constant 0 : i32
    return %c0_i32, %c0_i32_0 : i32, i32
  }
  func.func @transform_3(%arg0: i32) -> (i32, i32) {
    %c0_i32 = arith.constant 0 : i32
    %c0_i32_0 = arith.constant 0 : i32
    %c0_i32_1 = arith.constant 0 : i32
    return %c0_i32, %c0_i32_0 : i32, i32
  }
  func.func @transform_4(%arg0: i32) -> (i32, i32) {
    %c0_i32 = arith.constant 0 : i32
    %c0_i32_0 = arith.constant 0 : i32
    %c0_i32_1 = arith.constant 0 : i32
    return %c0_i32, %c0_i32_0 : i32, i32
  }
  func.func @transform_5(%arg0: i32) -> (i32, i32) {
    %c0_i32 = arith.constant 0 : i32
    %c0_i32_0 = arith.constant 0 : i32
    %c0_i32_1 = arith.constant 0 : i32
    return %c0_i32, %c0_i32_0 : i32, i32
  }
  func.func @transform_6(%arg0: i32) -> (i32, i32) {
    %c0_i32 = arith.constant 0 : i32
    %c0_i32_0 = arith.constant 0 : i32
    %c0_i32_1 = arith.constant 0 : i32
    return %c0_i32, %c0_i32_0 : i32, i32
  }
  func.func @transform_7(%arg0: i32) -> (i32, i32) {
    %c0_i32 = arith.constant 0 : i32
    %c0_i32_0 = arith.constant 0 : i32
    return %arg0, %c0_i32 : i32, i32
  }
}

</mosaic_0001>

<sc_bundles>
// kernel: kernel.9.cloned.1.call-start
scs
__scs_entry_jumppad:
0x0: {  	(pc) =	sbr.rel $0x88, $3  }
0x1: {  	(tag) =	ssettag $0x0;
	lr =	simm.s32 $0x1  }
0x2: {  	[smem:$0x3F93] =	sst lr;
	_ =	strace $0xD0000000  }
0x3: {  	_ = 	snop  }
0x4: {  	_ = 	snop  }
0x5: {  	_ = 	snop  }
0x6: {  	_ = 	snop  }
0x7: {  	_ = 	snop  }
__scs_overlays_trampoline_lowered:
0x8: {  	[smem:$0x3FA2] =	sst s0  }
0x9: {  	[smem:$0x3FA3] =	sst s1  }
0xa: {  	[smem:$0x3FA4] =	sst s2  }
0xb: {  	[smem:$0x3FA5] =	sst s3  }
0xc: {  	[smem:$0x3FA6] =	sst s4  }
0xd: {  	[smem:$0x3FA7] =	sst s5  }
0xe: {  	[smem:$0x3FA8] =	sst s6  }
0xf: {  	[smem:$0x3FA9] =	sst s7  }
0x10: {  	[smem:$0x3FAA] =	sst s8  }
0x11: {  	[smem:$0x3FAB] =	sst s9;
	s0 =	simm.s32 @!p0 $0x0  }
0x12: {  	s1 =	sld [smem:$0x3F91];
	s0 =	simm.s32 @p0 $0x1  }
0x13: {  	[smem:$0x3FAC] =	sst s0;
	s0 =	simm.s32 @!p1 $0x0  }
0x14: {  	s2 =	sld [smem:$0x3F90];
	s0 =	simm.s32 @p1 $0x1  }
0x15: {  	[smem:$0x3FAD] =	sst s0;
	s0 =	simm.s32 @!p2 $0x0  }
0x16: {  	s3 =	sld [smem:$0x3FDB];
	s0 =	simm.s32 @p2 $0x1  }
0x17: {  	s4 =	simm.s32 $0x1BF5;
	[smem:$0x3FAF] =	sst s0  }
0x18: {  	s0 =	sld [smem:$0x3F92];
	_ =	swait.ge [sflag:s4], $0x0  }
0x19: {  	s7 =	sld [smem:$0x3F93]  }
0x1a: {  	s8 =	sadd.s32 $0xFFFFE003, lr  }
0x1b: {  	s9 =	sadd.s32 $0xFFFFFEF7, lr;
	s5 =	simm.s32 $0xFFFFFFFF;
	p2 =	slt.u32 s8, $0xFFFFF086  }
0x1c: {  	p1 =	slt.u32 s9, $0xF7A;
	s5 =	simm.s32 @!p2 $0x0  }
0x1d: {  	s5 =	simm.s32 @p1 $0x1;
	p0 =	seq.s32 s7, s2  }
0x1e: {  	s7 =	smul.u32 @!p0 $0xF7A, s2;
	p2 =	seq.s32 @!p0 s5, $0x0  }
0x1f: {  	s9 =	smul.u32 $0xF7A, s1;
	s8 =	simm.s32 @!p0 $0x1BF5;
	p2 =	por !p2, p0  }
0x20: {  	[sflag:s8] =	ssyncset.s32 @!p0 $0xFFFFF086;
	s6 =	sadd.s32 @!p0 s3, s7;
	s7 =	simm.s32 @!p0 $0x108  }
0x21: {  	s3 =	sadd.s32 s3, s9;
	s6 =	sadd.s32 @!p0 $0x88, s6;
	s7 =	simm.s32 @p2 $0x1082  }
0x22: {  	[simem:s7], [sflag:s8] =	dma.local @!p0 [hbm:s6], $0xF7A  }
0x23: {  	s9 =	sor.u32 $0xD0000000, s2;
	s6 =	simm.s32 $0x108;
	_ =	swait.ge @!p0 [sflag:s8], $0x0  }
0x24: {  	s3 =	sadd.s32 $0x88, s3;
	s6 =	simm.s32 @!p1 $0x1082;
	[sflag:s4] =	ssyncset.s32 $0xFFFFF086  }
0x25: {  	[simem:s6], [sflag:s4] =	dma.local [hbm:s3], $0xF7A  }
0x26: {  	[smem:$0x3F93] =	sst s1;
	(tag) =	ssettag s2;
	_ =	strace s9  }
0x27: {  	s1 =	sld [smem:$0x3FA3]  }
0x28: {  	s2 =	sld [smem:$0x3FA4]  }
0x29: {  	s4 =	sld [smem:$0x3FA6]  }
0x2a: {  	p0 =	seq.s32 s5, $0x0;
	s5 =	sld [smem:$0x3FA7]  }
0x2b: {  	s6 =	sld [smem:$0x3FA8]  }
0x2c: {  	s7 =	sld [smem:$0x3FA9]  }
0x2d: {  	s3 =	simm.s32 $0x108;
	s8 =	sld [smem:$0x3FAA]  }
0x2e: {  	s3 =	simm.s32 @!p0 $0x1082;
	s9 =	sld [smem:$0x3FAB]  }
0x2f: {  	lr =	sadd.s32 s0, s3;
	s0 =	sld [smem:$0x3FA2]  }
0x30: {  	s3 =	sld [smem:$0x3FA5]  }
0x31: {  	[smem:$0x3FAE] =	sst s10  }
0x32: {  	s10 =	sld [smem:$0x3FAC];
	_ =	sdelay $0x3  }
0x33: {  	p0 =	seq.s32 s10, $0x1;
	s10 =	sld [smem:$0x3FAE];
	_ =	sdelay $0x3  }
0x34: {  	[smem:$0x3FAE] =	sst s10  }
0x35: {  	s10 =	sld [smem:$0x3FAD];
	_ =	sdelay $0x3  }
0x36: {  	p1 =	seq.s32 s10, $0x1;
	s10 =	sld [smem:$0x3FAE];
	_ =	sdelay $0x3  }
0x37: {  	[smem:$0x3FAE] =	sst s10  }
0x38: {  	s10 =	sld [smem:$0x3FAF]  }
0x39: {  	_ = 	snop;
	(pc) =	sbr.ind lr, $3  }
0x3a: {  	_ = 	snop  }
0x3b: {  	_ = 	snop  }
0x3c: {  	p2 =	seq.s32 s10, $0x1;
	s10 =	sld [smem:$0x3FAE]  }
0x3d: {  	_ =	shalt  }
0x3e: {  	_ =	shalt  }
0x3f: {  	_ =	shalt  }
0x40: {  	_ =	shalt  }
0x41: {  	_ =	shalt  }
0x42: {  	_ =	shalt  }
0x43: {  	_ =	shalt  }
0x44: {  	_ =	shalt  }
0x45: {  	_ =	shalt  }
0x46: {  	_ =	shalt  }
0x47: {  	_ =	shalt  }
0x48: {  	_ =	shalt  }
0x49: {  	_ =	shalt  }
0x4a: {  	_ =	shalt  }
0x4b: {  	_ =	shalt  }
0x4c: {  	_ =	shalt  }
0x4d: {  	_ =	shalt  }
0x4e: {  	_ =	shalt  }
0x4f: {  	_ =	shalt  }
0x50: {  	_ =	shalt  }
0x51: {  	_ =	shalt  }
0x52: {  	_ =	shalt  }
0x53: {  	_ =	shalt  }
0x54: {  	_ =	shalt  }
0x55: {  	_ =	shalt  }
0x56: {  	_ =	shalt  }
0x57: {  	_ =	shalt  }
0x58: {  	_ =	shalt  }
0x59: {  	_ =	shalt  }
0x5a: {  	_ =	shalt  }
0x5b: {  	_ =	shalt  }
0x5c: {  	_ =	shalt  }
0x5d: {  	_ =	shalt  }
0x5e: {  	_ =	shalt  }
0x5f: {  	_ =	shalt  }
0x60: {  	_ =	shalt  }
0x61: {  	_ =	shalt  }
0x62: {  	_ =	shalt  }
0x63: {  	_ =	shalt  }
0x64: {  	_ =	shalt  }
0x65: {  	_ =	shalt  }
0x66: {  	_ =	shalt  }
0x67: {  	_ =	shalt  }
0x68: {  	_ =	shalt  }
0x69: {  	_ =	shalt  }
0x6a: {  	_ =	shalt  }
0x6b: {  	_ =	shalt  }
0x6c: {  	_ =	shalt  }
0x6d: {  	_ =	shalt  }
0x6e: {  	_ =	shalt  }
0x6f: {  	_ =	shalt  }
0x70: {  	_ =	shalt  }
0x71: {  	_ =	shalt  }
0x72: {  	_ =	shalt  }
0x73: {  	_ =	shalt  }
0x74: {  	_ =	shalt  }
0x75: {  	_ =	shalt  }
0x76: {  	_ =	shalt  }
0x77: {  	_ =	shalt  }
0x78: {  	_ =	shalt  }
0x79: {  	_ =	shalt  }
0x7a: {  	_ =	shalt  }
0x7b: {  	_ =	shalt  }
0x7c: {  	_ =	shalt  }
0x7d: {  	_ =	shalt  }
0x7e: {  	_ =	shalt  }
0x7f: {  	_ =	shalt  }
0x80: {  	_ =	shalt  }
0x81: {  	_ =	shalt  }
0x82: {  	_ =	shalt  }
0x83: {  	_ =	shalt  }
0x84: {  	_ =	shalt  }
0x85: {  	_ =	shalt  }
0x86: {  	_ =	shalt  }
0x87: {  	_ =	shalt  }
.Lfunc_end0:
.L_simem_size_0:
called_computation_lowered:
.L_overlay_start_0:
0x88: {  	s2 =	sld [smem:$0x3FD9]  }
0x89: {  	s3 =	sld [smem:$0x3FFE];
	_ =	sdelay $0x1  }
0x8a: {  	s1 =	srdreg.scid  }
0x8b: {  	s0 =	sand.u32 $0x1, s1  }
0x8c: {  	s14 =	sshll.u32 s0, $0xA;
	s2 =	sadd.s32 s3, s2  }
0x8d: {  	s2 =	sadd.s32 s2, s14  }
0x8e: {  	[smem:$0x3FBA] =	sst s2  }
0x8f: {  	_ = 	snop  }
0x90: {  	s2 =	sld [smem:$0x3FD0];
	_ =	sdelay $0x2  }
0x91: {  	s15 =	simm.s32 $0xA;
	s4 =	simm.s32 $0x10  }
0x92: {  	[smem:s4], [sflag:s15] =	dma.local [hbm:s2], $0x1  }
0x93: {  	_ =	swait.eq [sflag:s15], $0x1  }
0x94: {  	[sflag:s15] =	ssyncset.done $0x0  }
0x95: {  	[sflag:s15] =	ssyncadd.s32 $0xFFFFFFFF  }
0x96: {  	s16 =	sld [smem:$0x11];
	(tm) =	ssettm $0x1  }
0x97: {  	s17 =	sld [smem:$0x3FFB];
	_ =	sdelay $0x3  }
0x98: {  	_ =	strace s17  }
0x99: {  	s3 =	sld [smem:$0x3FFC];
	_ =	sdelay $0x3  }
0x9a: {  	_ =	strace s3  }
0x9b: {  	s3 =	sld [smem:$0x3FFD];
	_ =	sdelay $0x3  }
0x9c: {  	_ =	strace s3  }
0x9d: {  	_ =	strace $0x8FFFFFFF  }
0x9e: {  	s18 =	sld [smem:$0x3FDB];
	_ =	sdelay $0x1  }
0x9f: {  	s19 =	simm.s32 $_scs_section_size  }
0xa0: {  	s5 =	simm.s32 $_size__tile_overlayer_lowered;
	s6 =	simm.s32 $_tile_overlayer_lowered  }
0xa1: {  	s22 =	simm.s32 $0x1BFF;
	s21 =	sshll.u32 s6, $0x1;
	s3 =	sadd.s32 s19, s18  }
0xa2: {  	s7 =	simm.s32 $0x0;
	s20 =	sshll.u32 s5, $0x1;
	s5 =	sadd.s32 s21, s3  }
0xa3: {  	[timem:s7], [sflag:s22] =	dma.local [hbm:s5], s20  }
0xa4: {  	_ =	swait.ge [sflag:s22], s20  }
0xa5: {  	s4 =	ssub.s32 $0x0, s20;
	[sflag:s22] =	ssyncset.done $0x0  }
0xa6: {  	[sflag:s22] =	ssyncadd.s32 s4;
	_ =	sdelay $0x1  }
0xa7: {  	s23 =	simm.s32 $0x1B8B  }
0xa8: {  	_ =	swait.ge [sflag:s23], $0x1  }
0xa9: {  	[sflag:s23] =	ssyncset.done $0x0  }
0xaa: {  	s25 =	simm.s32 $0x1B8E;
	s24 =	sld [smem:$0x3FFE];
	[sflag:s23] =	ssyncadd.s32 $0xFFFFFFFF  }
0xab: {  	s26 =	simm.s32 $execute0_lowered;
	[smem:$0x3FD2] =	sst s25  }
0xac: {  	s5 =	sshll.u32 s26, $0x1;
	_ =	strace $0x80000046;
	[dreg:$0x1] =	wrdreg $0xFFFFFFFF  }
0xad: {  	s28 =	simm.s32 $_size_execute0_lowered;
	s3 =	sadd.s32 s3, s5;
	[dreg:$0x0] =	wrdreg $0x0  }
0xae: {  	s5 =	sshll.u32 s28, $0x1;
	[dreg:$0x2] =	wrdreg s3  }
0xaf: {  	[dreg:$0x3] =	wrdreg s5  }
0xb0: {  	[dreg:$0x4] =	wrdreg $0xC0  }
0xb1: {  	_ =	task [dreg:s7], $0x5FFFF  }
0xb2: {  	[dreg:$0x1] =	wrdreg $0xFFFFFFFF  }
0xb3: {  	[dreg:$0x0] =	wrdreg $0x60  }
0xb4: {  	[dreg:$0x2] =	wrdreg s16  }
0xb5: {  	[dreg:$0x3] =	wrdreg s24  }
0xb6: {  	[dreg:$0x4] =	wrdreg $0x9  }
0xb7: {  	_ =	task.clear_ibuf [dreg:s7], $0x5FFFF;
	_ =	strace $0x90000046  }
0xb8: {  	s29 =	simm.s32 $0x9;
	_ =	strace $0x80000048  }
0xb9: {  	_ =	swait.ge [sflag:s29], $0x1  }
0xba: {  	[sflag:s29] =	ssyncadd.s32 $0xFFFFFFFF  }
0xbb: {  	_ =	strace $0x90000048  }
0xbc: {  	_ =	sfence  }
0xbd: {  	s30 =	sld [smem:$0x0];
	_ =	sdelay $0x2  }
0xbe: {  	s31 =	sshll.u32 s1, $0xD;
	s1 =	sshrl.u32 s1, $0x2  }
0xbf: {  	s3 =	sand.u32 $0x4000, s31;
	s1 =	sadd.s32 s1, s30  }
0xc0: {  	s0 =	sor.u32 s3, s0;
	s1 =	sshll.u32 s1, $0x11  }
0xc1: {  	s0 =	sor.u32 s1, s0  }
0xc2: {  	s0 =	sadd.s32 $0x8F2B, s0  }
0xc3: {  	[sflag:s0] =	ssyncadd.remote.s32 $0x1  }
0xc4: {  	_ =	sfence.sel $0xFFFF  }
0xc5: {  	[dreg:$0x0] =	wrdreg $0xFFFFFFFF;
	(pc) =	sbr.abs _section_cstart, $3  }
0xc6: {  	[dreg:$0x1] =	wrdreg $0xFFFFFFFF  }
0xc7: {  	_ =	task.clear_ibuf [dreg:s7], $0x2FFFF;
	_ =	strace $0x9FFFFFFF  }
0xc8: {  	(tm) =	ssettm $0x7FFFFFFF  }
0xc9: {  	_ =	shalt  }
tec
execute0_lowered:
.L_overlay_start_1:
0x0: {  	(tag) =	ssettag $0x1  }
0x1: {  	s11 =	rddreg [dreg:$0x0]  }
0x2: {  	s4 =	rddreg [dreg:$0x1]  }
0x3: {  	s0 =	rddreg [dreg:$0x2];
	s2 =	simm.s32 $0x0;
	s3 =	srdreg.scid  }
0x4: {  	s1 =	stileid.u32;
	s15 =	simm.s32 $0x8200;
	s16 =	simm.s32 $0x1  }
0x5: {  	s17 =	simm.s32 $0x3;
	s18 =	simm.s32 $0x2;
	s19 =	simm.s32 $0x4  }
0x6: {  	s20 =	simm.s32 $0x0;
	[smem:$0x7FF] =	sst s2;
	s5 =	sshll.u32 s1, $0xE  }
0x7: {  	s9 =	sand.u32 $0x1, s3;
	s3 =	sadd.s32 $0x207E00, s4;
	s12 =	sadd.s32 $0x307E00, s4  }
0x8: {  	s13 =	sshll.u32 s1, $0x12;
	s6 =	sshll.u32 s9, $0xD;
	s7 =	ssub.s32 $0x2, s9  }
0x9: {  	_ =	strace $0x80000047;
	s10 =	sor.u32 s6, s5;
	s28 =	sshrl.u32 s7, $0x1  }
0xa: {  	s9 =	sshll.u32 s9, $0x11;
	s5 =	sshrl.u32 s10, $0x3;
	s29 =	ssub.s32 s7, s28  }
0xb: {  	s30 =	sshll.u32 s10, $0x4;
	s31 =	sor.u32 $0x300, s10;
	s10 =	sor.u32 $0x200, s10  }
0xc: {  	s4 =	sadd.s32 s11, s5;
	s8 =	sadd.s32 s12, s30;
	s6 =	smax.u32 s29, $0x1  }
0xd: {  	s12 =	sadd.s32 s13, s12;
	s13 =	sshrl.u32 s31, $0x3;
	s14 =	sshrl.u32 s10, $0x3  }
0xe: {  	s5 =	sadd.s32 $0x20, s4;
	s7 =	sadd.s32 $0x1E000, s8;
	s8 =	sadd.s32 $0x1F000, s8  }
0xf: {  	s9 =	sadd.s32 s9, s12;
	s10 =	sadd.s32 s13, s11;
	s11 =	sadd.s32 s14, s11  }
0x10: {  	s12 =	simm.s32 $0x5;
	s13 =	simm.s32 $0x100;
	s14 =	simm.s32 $0x200  }
.LBB2_1:
0x11: {  	[tilespmem:s2], [sflag:$0x5] =	stream.linear.gather [hbm4b:s4+s2], $0x100, $0x38;
	[tilespmem:$0x10200] =	vst v63  }
0x12: {  	_ =	swait.ge [sflag:s12], $0x100  }
0x13: {  	[sflag:s12] =	ssyncset.done $0x0  }
0x14: {  	[sflag:s12] =	ssyncadd.s32 $0xFFFFFF00  }
0x15: {  	[tilespmem:s14], [sflag:$0x1] =	stream.indirect.gather [hbm4b:s3+s13], $0x80, s2, s13, $0xb8;
	[tilespmem:$0x10200] =	vst v63  }
0x16: {  	_ = 	snop  }
0x17: {  	[tilespmem:s13], [sflag:$0x5] =	stream.linear.gather [hbm4b:s5+s2], $0x100, $0x38;
	[tilespmem:$0x10200] =	vst v63  }
0x18: {  	_ =	swait.ge [sflag:s12], $0x100  }
0x19: {  	[sflag:s12] =	ssyncset.done $0x0  }
0x1a: {  	[sflag:s12] =	ssyncadd.s32 $0xFFFFFF00  }
0x1b: {  	[tilespmem:s15], [sflag:$0x2] =	stream.indirect.gather [hbm4b:s3+s13], $0x80, s13, s13, $0xb8;
	[tilespmem:$0x10200] =	vst v63  }
0x1c: {  	_ =	swait.ge [sflag:s16], $0x8000  }
0x1d: {  	[sflag:s16] =	ssyncset.done $0x0  }
0x1e: {  	[sflag:s16] =	ssyncadd.s32 $0xFFFF8000  }
0x1f: {  	[hbm4b:s9+s2] =	stream.linear.scatter [tilespmem:s14], [sflag:$0x3], $0x8000, $0x38;
	[tilespmem:$0x10200] =	vst v63  }
0x20: {  	_ =	swait.ge [sflag:s17], $0x8000  }
0x21: {  	[sflag:s17] =	ssyncset.done $0x0  }
0x22: {  	s21 =	sadd.s32 $0x0, s11;
	[sflag:s17] =	ssyncadd.s32 $0xFFFF8000  }
0x23: {  	[tilespmem:s2], [sflag:$0x5] =	stream.linear.gather [hbm4b:s21+s2], $0x100, $0x38;
	[tilespmem:$0x10200] =	vst v63  }
0x24: {  	_ =	swait.ge [sflag:s12], $0x100  }
0x25: {  	[sflag:s12] =	ssyncset.done $0x0  }
0x26: {  	[sflag:s12] =	ssyncadd.s32 $0xFFFFFF00  }
0x27: {  	[tilespmem:s14], [sflag:$0x1] =	stream.indirect.gather [hbm4b:s3+s13], $0x80, s2, s13, $0xb8;
	[tilespmem:$0x10200] =	vst v63  }
0x28: {  	_ =	swait.ge [sflag:s18], $0x8000  }
0x29: {  	[sflag:s18] =	ssyncset.done $0x0  }
0x2a: {  	s30 =	sadd.s32 $0x1000, s9;
	[sflag:s18] =	ssyncadd.s32 $0xFFFF8000  }
0x2b: {  	[hbm4b:s30+s2] =	stream.linear.scatter [tilespmem:s15], [sflag:$0x4], $0x8000, $0x38;
	[tilespmem:$0x10200] =	vst v63  }
0x2c: {  	_ =	swait.ge [sflag:s19], $0x8000  }
0x2d: {  	[sflag:s19] =	ssyncset.done $0x0  }
0x2e: {  	s31 =	sadd.s32 $0x0, s10;
	[sflag:s19] =	ssyncadd.s32 $0xFFFF8000  }
0x2f: {  	[tilespmem:s13], [sflag:$0x5] =	stream.linear.gather [hbm4b:s31+s2], $0x100, $0x38;
	[tilespmem:$0x10200] =	vst v63  }
0x30: {  	_ =	swait.ge [sflag:s12], $0x100  }
0x31: {  	[sflag:s12] =	ssyncset.done $0x0  }
0x32: {  	s22 =	sadd.s32 $0x2000, s9;
	s21 =	simm.s32 $0x40;
	[sflag:s12] =	ssyncadd.s32 $0xFFFFFF00  }
.LBB2_2:
0x33: {  	[tilespmem:s15], [sflag:$0x2] =	stream.indirect.gather [hbm4b:s3+s13], $0x80, s13, s13, $0xb8;
	[tilespmem:$0x10200] =	vst v63  }
0x34: {  	s23 =	smov.u32 s21  }
0x35: {  	p0 =	sne.s32 s21, $0x380;
	s21 =	sadd.s32 $0x40, s21;
	_ =	swait.ge [sflag:s16], $0x8000  }
0x36: {  	[sflag:s16] =	ssyncset.done $0x0  }
0x37: {  	[sflag:s16] =	ssyncadd.s32 $0xFFFF8000  }
0x38: {  	[hbm4b:s22+s2] =	stream.linear.scatter [tilespmem:s14], [sflag:$0x3], $0x8000, $0x38;
	[tilespmem:$0x10200] =	vst v63  }
0x39: {  	_ =	swait.ge [sflag:s17], $0x8000  }
0x3a: {  	[sflag:s17] =	ssyncset.done $0x0  }
0x3b: {  	s24 =	sadd.s32 s23, s11;
	[sflag:s17] =	ssyncadd.s32 $0xFFFF8000  }
0x3c: {  	[tilespmem:s2], [sflag:$0x5] =	stream.linear.gather [hbm4b:s24+s2], $0x100, $0x38;
	[tilespmem:$0x10200] =	vst v63  }
0x3d: {  	_ =	swait.ge [sflag:s12], $0x100  }
0x3e: {  	[sflag:s12] =	ssyncset.done $0x0  }
0x3f: {  	[sflag:s12] =	ssyncadd.s32 $0xFFFFFF00  }
0x40: {  	[tilespmem:s14], [sflag:$0x1] =	stream.indirect.gather [hbm4b:s3+s13], $0x80, s2, s13, $0xb8;
	[tilespmem:$0x10200] =	vst v63  }
0x41: {  	_ =	swait.ge [sflag:s18], $0x8000  }
0x42: {  	[sflag:s18] =	ssyncset.done $0x0  }
0x43: {  	s24 =	sadd.s32 $0x1000, s22;
	[sflag:s18] =	ssyncadd.s32 $0xFFFF8000  }
0x44: {  	[hbm4b:s24+s2] =	stream.linear.scatter [tilespmem:s15], [sflag:$0x4], $0x8000, $0x38;
	[tilespmem:$0x10200] =	vst v63  }
0x45: {  	_ =	swait.ge [sflag:s19], $0x8000  }
0x46: {  	[sflag:s19] =	ssyncset.done $0x0  }
.Ltmp0:
0x47: {  	s23 =	sadd.s32 s23, s10;
	[sflag:s19] =	ssyncadd.s32 $0xFFFF8000;
	(pc) =	sbr.rel @p0 .LBB2_2-.Ltmp0, $4  }
0x48: {  	[tilespmem:s13], [sflag:$0x5] =	stream.linear.gather [hbm4b:s23+s2], $0x100, $0x38;
	[tilespmem:$0x10200] =	vst v63  }
0x49: {  	_ =	swait.ge [sflag:s12], $0x100  }
0x4a: {  	[sflag:s12] =	ssyncset.done $0x0  }
0x4b: {  	s22 =	sadd.s32 $0x2000, s22;
	[sflag:s12] =	ssyncadd.s32 $0xFFFFFF00  }
0x4c: {  	[tilespmem:s15], [sflag:$0x2] =	stream.indirect.gather [hbm4b:s3+s13], $0x80, s13, s13, $0xb8;
	[tilespmem:$0x10200] =	vst v63  }
0x4d: {  	_ =	swait.ge [sflag:s16], $0x8000  }
0x4e: {  	[sflag:s16] =	ssyncset.done $0x0  }
0x4f: {  	[sflag:s16] =	ssyncadd.s32 $0xFFFF8000  }
0x50: {  	[hbm4b:s7+s2] =	stream.linear.scatter [tilespmem:s14], [sflag:$0x3], $0x8000, $0x38;
	[tilespmem:$0x10200] =	vst v63  }
0x51: {  	_ =	swait.ge [sflag:s18], $0x8000  }
0x52: {  	[sflag:s18] =	ssyncset.done $0x0  }
0x53: {  	s20 =	sadd.s32 $0x1, s20;
	[sflag:s18] =	ssyncadd.s32 $0xFFFF8000  }
0x54: {  	[hbm4b:s8+s2] =	stream.linear.scatter [tilespmem:s15], [sflag:$0x4], $0x8000, $0x38;
	[tilespmem:$0x10200] =	vst v63  }
0x55: {  	p0 =	sne.s32 s20, s6;
	_ =	swait.ge [sflag:s17], $0x8000  }
.Ltmp1:
0x56: {  	[sflag:s17] =	ssyncset.done $0x0;
	(pc) =	sbr.rel @p0 .LBB2_1-.Ltmp1, $4  }
0x57: {  	[sflag:s17] =	ssyncadd.s32 $0xFFFF8000  }
0x58: {  	_ =	swait.ge [sflag:s19], $0x8000  }
0x59: {  	[sflag:s19] =	ssyncset.done $0x0  }
0x5a: {  	[sflag:s19] =	ssyncadd.s32 $0xFFFF8000  }
0x5b: {  	_ =	sfence.sel $0x180000  }
0x5c: {  	[bflag:$0x0] =	sbarrier.arrive $0xFFFF  }
0x5d: {  	p0 =	sne.s32 s1, $0x0;
	_ =	strace $0x90000047  }
0x5e: {  	s0 =	sadd.s32 @!p0 $0x100000, s0;
	[bflag:$0x2] =	sbarrier.arrive $0xFFFF  }
0x5f: {  	[sflag:s0] =	ssyncadd.tile.s32 @!p0 $0x1;
	_ =	shalt  }
.Lfunc_end2:
_tile_overlayer_lowered:
.L_overlay_start_2:
0x60: {  	(tag) =	ssettag $0x2  }
0x61: {  	s0 =	rddreg [dreg:$0x0];
	s2 =	stileid.u32  }
0x62: {  	s1 =	rddreg [dreg:$0x1];
	p0 =	sne.s32 s2, $0x0  }
0x63: {  	s3 =	rddreg [dreg:$0x2];
	[bflag:$0x3] =	sbarrier.arrive $0xFFFF;
	s2 =	simm.s32 @!p0 $0x1C05  }
0x64: {  	[timem:s3], [sflag:s2] =	dma.local @!p0 [hbm:s0], s1  }
0x65: {  	s0 =	simm.s32 @!p0 $0x5  }
0x66: {  	_ =	swait.ge @!p0 [sflag:s0], s1  }
0x67: {  	s1 =	ssub.s32 @!p0 $0x0, s1;
	[sflag:s0] =	ssyncset.done @!p0 $0x0  }
0x68: {  	[sflag:s0] =	ssyncadd.s32 @!p0 s1  }
0x69: {  	[bflag:$0x3] =	sbarrier.arrive $0xFFFF  }
0x6a: {  	_ =	shalt  }

</sc_bundles>
